<compile_context>
chip_gen: v7x
topology: tpu7x:2x2x1
jax: 0.10.2.dev20260603
libtpu: 0.0.44.dev20260713+nightly
codegen_flags: <defaults>
</compile_context>

<pallas_src>
import jax
import jax.numpy as jnp
from jax import lax
from jax.experimental import pallas as pl
from jax.experimental.pallas import tpu as pltpu
from jax.experimental.pallas import tpu_sc as plsc

_CONF_THRES = 0.25
_IOU_THRES = 0.45
_MAX_ANCHORS = 50

_L = 16
_UNROLL = 4
_NPAD = 5120
_HALF = _NPAD // 2
_OUTW = 16


def _nms_body(xt_hbm, out_hbm, buf, score, area, cx1, cy1, cx2, cy2,
              cidx, outv, xbuf, xr, shared):
    c = lax.axis_index("c")
    s = lax.axis_index("s")
    b = c * 8 + lax.rem(s, 8)
    h = s // 8
    base = h * _HALF
    partner = jnp.where(h == 0, s + 8, s - 8)

    pltpu.sync_copy(xt_hbm.at[b], buf)

    lane = lax.iota(jnp.int32, _L)
    ninf = jnp.full((_L,), -jnp.inf, jnp.float32)
    init = (ninf, jnp.full((_L,), jnp.int32(2**30)))

    def acc_update(bv, bp, sc, gidx):
        upd = (sc > bv) | ((sc == bv) & (gidx < bp))
        return jnp.where(upd, sc, bv), jnp.where(upd, gidx, bp)

    def argmax_fin(bv, bp):
        m = jnp.max(bv)
        bi = jnp.min(jnp.where(bv == m, bp, jnp.int32(2**30)))
        return m, bi

    def exchange(m, bi):
        mv = jnp.full((_L,), m, jnp.float32)
        biv = plsc.bitcast(jnp.full((_L,), bi, jnp.int32), jnp.float32)
        xbuf[0, :] = jnp.where(lane < 8, mv, biv)
        pltpu.sync_copy(xbuf.at[0], shared.at[pl.ds(s * _L, _L)])
        plsc.subcore_barrier()
        pltpu.sync_copy(shared, xr)
        rv = plsc.load_gather(xr, [partner * _L + lane])
        plsc.subcore_barrier()
        mo = jnp.max(jnp.where(lane < 8, rv, -jnp.inf))
        ri = plsc.bitcast(rv, jnp.int32)
        bio = jnp.max(jnp.where(lane >= 8, ri, jnp.int32(-2**31 + 1)))
        take = (mo > m) | ((mo == m) & (bio < bi))
        return jnp.where(take, mo, m), jnp.where(take, bio, bi)

    def pre(ci, carry):
        wofs, bv, bp = carry
        off = ci * _L
        gsl = pl.ds(base + off, _L)
        x1 = buf[0, gsl]
        y1 = buf[1, gsl]
        x2 = buf[2, gsl]
        y2 = buf[3, gsl]
        cf = buf[4, gsl]
        ar = (jnp.maximum(x2 - x1, 0.0)
              * jnp.maximum(y2 - y1, 0.0))
        valid = cf > _CONF_THRES
        gidx = base + off + lane
        wsl = pl.ds(wofs, _L)
        plsc.store_compressed(cx1.at[wsl], x1, mask=valid)
        plsc.store_compressed(cy1.at[wsl], y1, mask=valid)
        plsc.store_compressed(cx2.at[wsl], x2, mask=valid)
        plsc.store_compressed(cy2.at[wsl], y2, mask=valid)
        plsc.store_compressed(area.at[wsl], ar, mask=valid)
        plsc.store_compressed(score.at[wsl], cf, mask=valid)
        plsc.store_compressed(cidx.at[wsl], gidx, mask=valid)
        cnt = jnp.max(plsc.all_reduce_population_count(valid))
        bv, bp = acc_update(bv, bp, jnp.where(valid, cf, -jnp.inf), gidx)
        return wofs + cnt, bv, bp

    wofs, bv, bp = lax.fori_loop(0, _HALF // _L, pre,
                                 (jnp.int32(0), *init))
    tsl = pl.ds(wofs, _L)
    score[tsl] = ninf
    cidx[tsl] = jnp.full((_L,), jnp.int32(2**30))
    cx1[tsl] = jnp.zeros((_L,), jnp.float32)
    cy1[tsl] = jnp.zeros((_L,), jnp.float32)
    cx2[tsl] = jnp.full((_L,), jnp.float32(-1.0))
    cy2[tsl] = jnp.full((_L,), jnp.float32(-1.0))
    area[tsl] = jnp.zeros((_L,), jnp.float32)
    nsw = ((wofs + _L - 1) // _L) * _L

    m0, bi0 = exchange(*argmax_fin(bv, bp))

    def emit(k, m, bi):
        valid = m > -jnp.inf
        safe = jnp.minimum(jnp.maximum(bi, 0), _NPAD - 1)
        iv = jnp.full((_L,), safe, jnp.int32)
        r = jnp.zeros((_L,), jnp.int32)
        bx1 = plsc.load_gather(buf, [r, iv])
        by1 = plsc.load_gather(buf, [r + 1, iv])
        bx2 = plsc.load_gather(buf, [r + 2, iv])
        by2 = plsc.load_gather(buf, [r + 3, iv])
        clsv = plsc.load_gather(buf, [r + 5, iv])
        mv = jnp.full((_L,), m, jnp.float32)
        vals = jnp.where(lane == 0, bx1,
               jnp.where(lane == 1, by1,
               jnp.where(lane == 2, bx2,
               jnp.where(lane == 3, by2,
               jnp.where(lane == 4, mv,
               jnp.where(lane == 5, clsv, jnp.float32(-1.0)))))))
        vals = jnp.where(valid, vals, jnp.float32(-1.0))
        outv[pl.ds(k * _L, _L)] = vals
        bx1 = jnp.where(valid, bx1, jnp.float32(0.0))
        by1 = jnp.where(valid, by1, jnp.float32(0.0))
        bx2 = jnp.where(valid, bx2, jnp.float32(-1.0))
        by2 = jnp.where(valid, by2, jnp.float32(-1.0))
        biv = jnp.where(valid, jnp.full((_L,), bi, jnp.int32), -1)
        return bx1, by1, bx2, by2, biv

    def keep_step(k, carry):
        m, bi = carry
        bx1, by1, bx2, by2, biv = emit(k, m, bi)
        area_b = (jnp.maximum(bx2 - bx1, 0.0)
                  * jnp.maximum(by2 - by1, 0.0))

        @plsc.parallel_loop(0, nsw, _L, unroll=_UNROLL, carry=init)
        def acc(off, carry):
            bv, bp = carry
            sl = pl.ds(off, _L)
            x1 = cx1[sl]
            y1 = cy1[sl]
            x2 = cx2[sl]
            y2 = cy2[sl]
            sc = score[sl]
            ar = area[sl]
            gidx = cidx[sl]
            ix1 = jnp.maximum(bx1, x1)
            iy1 = jnp.maximum(by1, y1)
            ix2 = jnp.minimum(bx2, x2)
            iy2 = jnp.minimum(by2, y2)
            inter = (jnp.maximum(ix2 - ix1, 0.0)
                     * jnp.maximum(iy2 - iy1, 0.0))
            union = area_b + ar - inter
            iou = inter / (union + 1e-9)
            supp = (iou >= _IOU_THRES) | (gidx == biv)
            sc = jnp.where(supp, -jnp.inf, sc)
            score[sl] = sc
            return acc_update(bv, bp, sc, gidx)

        return exchange(*argmax_fin(*acc))

    m, bi = lax.fori_loop(0, _MAX_ANCHORS - 1, keep_step, (m0, bi0))
    emit(_MAX_ANCHORS - 1, m, bi)

    @pl.when(h == 0)
    def _():
        pltpu.sync_copy(outv, out_hbm.at[b])


@jax.jit
def kernel(x):
    B, N, C = x.shape
    pad = jnp.zeros((B, _NPAD - N, C), x.dtype)
    pad = pad.at[:, :, 4].set(-1.0)
    xt = jnp.transpose(jnp.concatenate([x, pad], axis=1), (0, 2, 1))
    xt = jnp.asarray(xt, jnp.float32)

    run = pl.kernel(
        _nms_body,
        out_type=jax.ShapeDtypeStruct((B, _MAX_ANCHORS * _OUTW),
                                      jnp.float32),
        mesh=plsc.VectorSubcoreMesh(core_axis_name="c",
                                    subcore_axis_name="s"),
        scratch_types=[
            pltpu.VMEM((C, _NPAD), jnp.float32),
            pltpu.VMEM((_HALF + _L,), jnp.float32),
            pltpu.VMEM((_HALF + _L,), jnp.float32),
            pltpu.VMEM((_HALF + _L,), jnp.float32),
            pltpu.VMEM((_HALF + _L,), jnp.float32),
            pltpu.VMEM((_HALF + _L,), jnp.float32),
            pltpu.VMEM((_HALF + _L,), jnp.float32),
            pltpu.VMEM((_HALF + _L,), jnp.int32),
            pltpu.VMEM((_MAX_ANCHORS * _OUTW,), jnp.float32),
            pltpu.VMEM((2, _L), jnp.float32),
            pltpu.VMEM((16 * _L,), jnp.float32),
            pltpu.VMEM_SHARED((16 * _L,), jnp.float32),
        ],
        compiler_params=pltpu.CompilerParams(needs_layout_passes=False),
    )
    out = run(xt)
    return out.reshape(B, _MAX_ANCHORS, _OUTW)[:, :, :C]

# --- scband reference (transcript-rebuilt; emitter-appended) ---
"""Pipeline reference for scband-nms-12764642804265 (READ-ONLY COPY).

The authoritative reference and input builder live on the scoring server;
editing this copy changes nothing except your own understanding.
"""

import jax, jax.numpy as jnp
import numpy as np

CONF_THRES = 0.25
IOU_THRES = 0.45
MAX_ANCHORS = 50


def setup_inputs(seed: int = 0) -> dict:
    key = jax.random.key(seed)
    x = jax.random.uniform(key, (16, 5000, 6), dtype=jnp.float32)
    return {"x": x}


def _iou_one_vs_all(b, boxes):
    # b: [4] (x1,y1,x2,y2), boxes: [N,4]
    ix1 = jnp.maximum(b[0], boxes[:, 0])
    iy1 = jnp.maximum(b[1], boxes[:, 1])
    ix2 = jnp.minimum(b[2], boxes[:, 2])
    iy2 = jnp.minimum(b[3], boxes[:, 3])
    inter = jnp.maximum(ix2 - ix1, 0.0) * jnp.maximum(iy2 - iy1, 0.0)
    area_b = jnp.maximum(b[2] - b[0], 0.0) * jnp.maximum(b[3] - b[1], 0.0)
    areas = jnp.maximum(boxes[:, 2] - boxes[:, 0], 0.0) * jnp.maximum(boxes[:, 3] - boxes[:, 1], 0.0)
    union = area_b + areas - inter
    return inter / (union + 1e-9)


def _nms_single(bx):
    # bx: [N, 6] -> [MAX_ANCHORS, 6]
    N = bx.shape[0]
    conf = bx[:, 4]
    valid = conf > CONF_THRES
    score = jnp.where(valid, conf, -jnp.inf)
    order = jnp.argsort(-score)
    boxes = bx[:, :4]

    def body(i, keep):
        j = order[i]
        ious = _iou_one_vs_all(boxes[j], boxes)
        suppressed = jnp.any((ious >= IOU_THRES) & keep)
        return keep.at[j].set(valid[j] & jnp.logical_not(suppressed))

    keep = jax.lax.fori_loop(0, N, body, jnp.zeros((N,), dtype=bool))
    keep = jax.lax.stop_gradient(keep)
    # keep_shape=True: take top max_anchors survivors by confidence, pad with -1
    sel = jnp.where(keep, conf, -jnp.inf)
    top_vals, top_idx = jax.lax.top_k(sel, MAX_ANCHORS)
    out = bx[top_idx]
    mask = (top_vals > -jnp.inf)[:, None]
    out = jnp.where(mask, out, -1.0)
    return out


def reference(x):
    # x: [B, N, 6] -> [B, MAX_ANCHORS, 6]
    return jax.vmap(_nms_single)(x)

if __name__ == "__main__":
    import jax
    _d = setup_inputs()
    print(jax.jit(kernel)(*tuple(_d.values())))

</pallas_src>

<mosaic_0001>
#map = affine_map<(d0, d1) -> (0, 0, 0)>
#map1 = affine_map<(d0, d1) -> (0, 0)>
module attributes {stable_mosaic.version = 14 : i64} {
  func.func @_nms_body(%arg0: i32, %arg1: i32, %arg2: memref<16x6x5120xf32, #tpu.memory_space<hbm>>, %arg3: memref<16x800xf32, #tpu.memory_space<hbm>>, %arg4: memref<6x5120xf32, #tpu.memory_space<vmem>>, %arg5: memref<2576xf32, #tpu.memory_space<vmem>>, %arg6: memref<2576xf32, #tpu.memory_space<vmem>>, %arg7: memref<2576xf32, #tpu.memory_space<vmem>>, %arg8: memref<2576xf32, #tpu.memory_space<vmem>>, %arg9: memref<2576xf32, #tpu.memory_space<vmem>>, %arg10: memref<2576xf32, #tpu.memory_space<vmem>>, %arg11: memref<2576xi32, #tpu.memory_space<vmem>>, %arg12: memref<800xf32, #tpu.memory_space<vmem>>, %arg13: memref<2x16xf32, #tpu.memory_space<vmem>>, %arg14: memref<256xf32, #tpu.memory_space<vmem>>, %arg15: memref<256xf32, #tpu.memory_space<vmem_shared>>) attributes {dimension_semantics = [#tpu.dimension_semantics<core_parallel>, #tpu.dimension_semantics<subcore_parallel>], iteration_bounds = array<i64: 2, 16>, scalar_prefetch = 0 : i64, scratch_operands = 12 : i64, tpu.core_type = #tpu.core_type<sc_vector_subcore>, window_params = [{transform_indices = #map}, {transform_indices = #map1}]} {
    %mul3A = arith.constant 8 : i32
    %mul3A_0 = arith.muli %arg0, %mul3A : i32
    %rem3A = arith.constant 8 : i32
    %rem3A_1 = arith.remsi %arg1, %rem3A : i32
    %add3A = arith.addi %mul3A_0, %rem3A_1 : i32
    %jit3A = arith.constant 8 : i32
    %div3A = arith.divsi %arg1, %jit3A : i32
    %sign3A = arith.constant 0 : i32
    %sign3A_2 = arith.cmpi sgt, %arg1, %sign3A : i32
    %sign3A_3 = arith.extui %sign3A_2 : i1 to i32
    %sign3A_4 = arith.constant 0 : i32
    %sign3A_5 = arith.cmpi slt, %arg1, %sign3A_4 : i32
    %sign3A_6 = arith.extui %sign3A_5 : i1 to i32
    %sign3A_7 = arith.subi %sign3A_3, %sign3A_6 : i32
    %sign3A_8 = arith.constant 0 : i32
    %sign3A_9 = arith.cmpi sgt, %jit3A, %sign3A_8 : i32
    %sign3A_10 = arith.extui %sign3A_9 : i1 to i32
    %sign3A_11 = arith.constant 0 : i32
    %sign3A_12 = arith.cmpi slt, %jit3A, %sign3A_11 : i32
    %sign3A_13 = arith.extui %sign3A_12 : i1 to i32
    %sign3A_14 = arith.subi %sign3A_10, %sign3A_13 : i32
    %ne3A = arith.cmpi ne, %sign3A_7, %sign3A_14 : i32
    %rem3A_15 = arith.remsi %arg1, %jit3A : i32
    %ne3A_16 = arith.constant 0 : i32
    %ne3A_17 = arith.cmpi ne, %rem3A_15, %ne3A_16 : i32
    %and3A = arith.andi %ne3A, %ne3A_17 : i1
    %sub3A = arith.constant 1 : i32
    %sub3A_18 = arith.subi %div3A, %sub3A : i32
    %select_n3A = arith.select %and3A, %sub3A_18, %div3A : i32
    %mul3A_19 = arith.constant 2560 : i32
    %mul3A_20 = arith.muli %select_n3A, %mul3A_19 : i32
    %eq3A = arith.constant 0 : i32
    %eq3A_21 = arith.cmpi eq, %select_n3A, %eq3A : i32
    %add3A_22 = arith.constant 8 : i32
    %add3A_23 = arith.addi %arg1, %add3A_22 : i32
    %sub3A_24 = arith.constant 8 : i32
    %sub3A_25 = arith.subi %arg1, %sub3A_24 : i32
    %select_n3A_26 = arith.select %eq3A_21, %add3A_23, %sub3A_25 : i32
    "tpu.region"() ({
      %run_scoped3A_232 = tpu.sem_alloc : memref<!tpu.dma_semaphore, #tpu.memory_space<semaphore_mem>>
      %dma_start3A = arith.constant 0 : i32
      %dma_start3A_233 = arith.constant 0 : i32
      %dma_start3A_234 = tpu.memref_slice %arg2[%add3A, %dma_start3A, %dma_start3A_233] : memref<16x6x5120xf32, #tpu.memory_space<hbm>> -> memref<1x6x5120xf32, #tpu.memory_space<hbm>>
      %dma_start3A_235 = tpu.memref_squeeze %dma_start3A_234 : memref<1x6x5120xf32, #tpu.memory_space<hbm>> -> memref<6x5120xf32, #tpu.memory_space<hbm>>
      %dma_start3A_236 = arith.constant 0 : i32
      %dma_start3A_237 = arith.constant 0 : i32
      %dma_start3A_238 = tpu.memref_slice %arg2[%add3A, %dma_start3A_236, %dma_start3A_237] : memref<16x6x5120xf32, #tpu.memory_space<hbm>> -> memref<1x6x5120xf32, #tpu.memory_space<hbm>>
      %dma_start3A_239 = tpu.memref_squeeze %dma_start3A_238 : memref<1x6x5120xf32, #tpu.memory_space<hbm>> -> memref<6x5120xf32, #tpu.memory_space<hbm>>
      tpu.enqueue_dma source(%dma_start3A_239 : memref<6x5120xf32, #tpu.memory_space<hbm>>) target(%arg4 : memref<6x5120xf32, #tpu.memory_space<vmem>>) target_semaphore(%run_scoped3A_232 : memref<!tpu.dma_semaphore, #tpu.memory_space<semaphore_mem>>)
      %dma_wait3A = arith.constant 0 : i32
      %dma_wait3A_240 = arith.constant 0 : i32
      %dma_wait3A_241 = tpu.memref_slice %arg2[%add3A, %dma_wait3A, %dma_wait3A_240] : memref<16x6x5120xf32, #tpu.memory_space<hbm>> -> memref<1x6x5120xf32, #tpu.memory_space<hbm>>
      %dma_wait3A_242 = tpu.memref_squeeze %dma_wait3A_241 : memref<1x6x5120xf32, #tpu.memory_space<hbm>> -> memref<6x5120xf32, #tpu.memory_space<hbm>>
      %dma_wait3A_243 = arith.constant 0 : i32
      %dma_wait3A_244 = arith.constant 0 : i32
      %dma_wait3A_245 = tpu.memref_slice %arg2[%add3A, %dma_wait3A_243, %dma_wait3A_244] : memref<16x6x5120xf32, #tpu.memory_space<hbm>> -> memref<1x6x5120xf32, #tpu.memory_space<hbm>>
      %dma_wait3A_246 = tpu.memref_squeeze %dma_wait3A_245 : memref<1x6x5120xf32, #tpu.memory_space<hbm>> -> memref<6x5120xf32, #tpu.memory_space<hbm>>
      tpu.wait_dma2 semaphore(%run_scoped3A_232 : memref<!tpu.dma_semaphore, #tpu.memory_space<semaphore_mem>>) src(%dma_wait3A_246 : memref<6x5120xf32, #tpu.memory_space<hbm>>) dst(%arg4 : memref<6x5120xf32, #tpu.memory_space<vmem>>)
      tpu.yield
    }) : () -> ()
    %iota3A = tpu.iota {dimensions = array<i32: 0>} : vector<16xi32>
    %broadcast_in_dim3A = arith.constant 0xFF800000 : f32
    %broadcast_in_dim3A_27 = vector.broadcast %broadcast_in_dim3A : f32 to vector<16xf32>
    %broadcast_in_dim3A_28 = arith.constant 1073741824 : i32
    %broadcast_in_dim3A_29 = vector.broadcast %broadcast_in_dim3A_28 : i32 to vector<16xi32>
    %scan3A = arith.constant 0 : i32
    %scan3A_30 = arith.constant 0 : i32
    %scan3A_31 = arith.constant 160 : i32
    %scan3A_32 = arith.addi %scan3A_30, %scan3A_31 : i32
    %scan3A_33 = arith.constant 1 : i32
    %scan3A_34:3 = scf.for %scan3A_232 = %scan3A_30 to %scan3A_32 step %scan3A_33 iter_args(%scan3A_233 = %scan3A, %scan3A_234 = %broadcast_in_dim3A_27, %scan3A_235 = %broadcast_in_dim3A_29) -> (i32, vector<16xf32>, vector<16xi32>)  : i32 {
      %mul3A_236 = arith.constant 16 : i32
      %mul3A_237 = arith.muli %scan3A_232, %mul3A_236 : i32
      %add3A_238 = arith.addi %mul3A_20, %mul3A_237 : i32
      %get3A = arith.constant 0 : i32
      %get3A_239 = arith.index_cast %get3A : i32 to index
      %get3A_240 = arith.index_cast %add3A_238 : i32 to index
      %get3A_241 = tpu.vector_load %arg4[%get3A_239, %get3A_240] {strides = array<i32>} : memref<6x5120xf32, #tpu.memory_space<vmem>>, vector<16xf32>,
      %get3A_242 = arith.constant 1 : i32
      %get3A_243 = arith.index_cast %get3A_242 : i32 to index
      %get3A_244 = arith.index_cast %add3A_238 : i32 to index
      %get3A_245 = tpu.vector_load %arg4[%get3A_243, %get3A_244] {strides = array<i32>} : memref<6x5120xf32, #tpu.memory_space<vmem>>, vector<16xf32>,
      %get3A_246 = arith.constant 2 : i32
      %get3A_247 = arith.index_cast %get3A_246 : i32 to index
      %get3A_248 = arith.index_cast %add3A_238 : i32 to index
      %get3A_249 = tpu.vector_load %arg4[%get3A_247, %get3A_248] {strides = array<i32>} : memref<6x5120xf32, #tpu.memory_space<vmem>>, vector<16xf32>,
      %get3A_250 = arith.constant 3 : i32
      %get3A_251 = arith.index_cast %get3A_250 : i32 to index
      %get3A_252 = arith.index_cast %add3A_238 : i32 to index
      %get3A_253 = tpu.vector_load %arg4[%get3A_251, %get3A_252] {strides = array<i32>} : memref<6x5120xf32, #tpu.memory_space<vmem>>, vector<16xf32>,
      %get3A_254 = arith.constant 4 : i32
      %get3A_255 = arith.index_cast %get3A_254 : i32 to index
      %get3A_256 = arith.index_cast %add3A_238 : i32 to index
      %get3A_257 = tpu.vector_load %arg4[%get3A_255, %get3A_256] {strides = array<i32>} : memref<6x5120xf32, #tpu.memory_space<vmem>>, vector<16xf32>,
      %sub3A_258 = arith.subf %get3A_249, %get3A_241 : vector<16xf32>
      %max3A_259 = arith.constant 0.000000e+00 : f32
      %max3A_260 = vector.broadcast %max3A_259 : f32 to vector<16xf32>
      %max3A_261 = arith.maximumf %sub3A_258, %max3A_260 : vector<16xf32>
      %sub3A_262 = arith.subf %get3A_253, %get3A_245 : vector<16xf32>
      %max3A_263 = arith.constant 0.000000e+00 : f32
      %max3A_264 = vector.broadcast %max3A_263 : f32 to vector<16xf32>
      %max3A_265 = arith.maximumf %sub3A_262, %max3A_264 : vector<16xf32>
      %mul3A_266 = arith.mulf %max3A_261, %max3A_265 : vector<16xf32>
      %gt3A_267 = arith.constant 2.500000e-01 : f32
      %gt3A_268 = vector.broadcast %gt3A_267 : f32 to vector<16xf32>
      %gt3A_269 = arith.cmpf ogt, %get3A_257, %gt3A_268 : vector<16xf32>
      %add3A_270 = arith.addi %mul3A_20, %mul3A_237 : i32
      %add3A_271 = vector.broadcast %add3A_270 : i32 to vector<16xi32>
      %add3A_272 = arith.addi %add3A_271, %iota3A : vector<16xi32>
      %swap3A_273 = arith.index_cast %scan3A_233 : i32 to index
      %swap3A_274 = tpu.vector_load %arg7[%swap3A_273] masked %gt3A_269 {strides = array<i32>} : memref<2576xf32, #tpu.memory_space<vmem>>, vector<16xf32>, vector<16xi1>
      tpu.vector_store %arg7[%swap3A_273], %get3A_241 masked %gt3A_269 {strides = array<i32>} : memref<2576xf32, #tpu.memory_space<vmem>>, vector<16xf32>, vector<16xi1>
      %swap3A_275 = arith.index_cast %scan3A_233 : i32 to index
      %swap3A_276 = tpu.vector_load %arg8[%swap3A_275] masked %gt3A_269 {strides = array<i32>} : memref<2576xf32, #tpu.memory_space<vmem>>, vector<16xf32>, vector<16xi1>
      tpu.vector_store %arg8[%swap3A_275], %get3A_245 masked %gt3A_269 {strides = array<i32>} : memref<2576xf32, #tpu.memory_space<vmem>>, vector<16xf32>, vector<16xi1>
      %swap3A_277 = arith.index_cast %scan3A_233 : i32 to index
      %swap3A_278 = tpu.vector_load %arg9[%swap3A_277] masked %gt3A_269 {strides = array<i32>} : memref<2576xf32, #tpu.memory_space<vmem>>, vector<16xf32>, vector<16xi1>
      tpu.vector_store %arg9[%swap3A_277], %get3A_249 masked %gt3A_269 {strides = array<i32>} : memref<2576xf32, #tpu.memory_space<vmem>>, vector<16xf32>, vector<16xi1>
      %swap3A_279 = arith.index_cast %scan3A_233 : i32 to index
      %swap3A_280 = tpu.vector_load %arg10[%swap3A_279] masked %gt3A_269 {strides = array<i32>} : memref<2576xf32, #tpu.memory_space<vmem>>, vector<16xf32>, vector<16xi1>
      tpu.vector_store %arg10[%swap3A_279], %get3A_253 masked %gt3A_269 {strides = array<i32>} : memref<2576xf32, #tpu.memory_space<vmem>>, vector<16xf32>, vector<16xi1>
      %swap3A_281 = arith.index_cast %scan3A_233 : i32 to index
      %swap3A_282 = tpu.vector_load %arg6[%swap3A_281] masked %gt3A_269 {strides = array<i32>} : memref<2576xf32, #tpu.memory_space<vmem>>, vector<16xf32>, vector<16xi1>
      tpu.vector_store %arg6[%swap3A_281], %mul3A_266 masked %gt3A_269 {strides = array<i32>} : memref<2576xf32, #tpu.memory_space<vmem>>, vector<16xf32>, vector<16xi1>
      %swap3A_283 = arith.index_cast %scan3A_233 : i32 to index
      %swap3A_284 = tpu.vector_load %arg5[%swap3A_283] masked %gt3A_269 {strides = array<i32>} : memref<2576xf32, #tpu.memory_space<vmem>>, vector<16xf32>, vector<16xi1>
      tpu.vector_store %arg5[%swap3A_283], %get3A_257 masked %gt3A_269 {strides = array<i32>} : memref<2576xf32, #tpu.memory_space<vmem>>, vector<16xf32>, vector<16xi1>
      %swap3A_285 = arith.index_cast %scan3A_233 : i32 to index
      %swap3A_286 = tpu.vector_load %arg11[%swap3A_285] masked %gt3A_269 {strides = array<i32>} : memref<2576xi32, #tpu.memory_space<vmem>>, vector<16xi32>, vector<16xi1>
      tpu.vector_store %arg11[%swap3A_285], %add3A_272 masked %gt3A_269 {strides = array<i32>} : memref<2576xi32, #tpu.memory_space<vmem>>, vector<16xi32>, vector<16xi1>
      %all_reduce_population_count3A = tpu.all_reduce %gt3A_269 {dim = 0 : i64, kind = #tpu.reduction_kind<sum>} : vector<16xi1> -> vector<16xi32>
      %reduce_max3A_287 = arith.constant true
      %reduce_max3A_288 = vector.broadcast %reduce_max3A_287 : i1 to vector<16xi1>
      %reduce_max3A_289 = arith.constant -2147483648 : i32
      %reduce_max3A_290 = vector.broadcast %reduce_max3A_289 : i32 to vector<16xi32>
      %reduce_max3A_291 = arith.xori %all_reduce_population_count3A, %reduce_max3A_290 : vector<16xi32>
      %reduce_max3A_292 = tpu.scan <max>, %reduce_max3A_291 masked %reduce_max3A_288 : vector<16xi32>, vector<16xi1> -> vector<16xi32>
      %reduce_max3A_293 = arith.xori %reduce_max3A_292, %reduce_max3A_290 : vector<16xi32>
      %reduce_max3A_294 = vector.extract %reduce_max3A_293[15] : i32 from vector<16xi32>
      %jit3A_295 = arith.constant 0xFF800000 : f32
      %broadcast_in_dim3A_296 = vector.broadcast %jit3A_295 : f32 to vector<16xf32>
      %select_n3A_297 = arith.select %gt3A_269, %get3A_257, %broadcast_in_dim3A_296 : vector<16xi1>, vector<16xf32>
      %gt3A_298 = arith.cmpf ogt, %select_n3A_297, %scan3A_234 : vector<16xf32>
      %eq3A_299 = arith.cmpf oeq, %select_n3A_297, %scan3A_234 : vector<16xf32>
      %lt3A_300 = arith.cmpi slt, %add3A_272, %scan3A_235 : vector<16xi32>
      %and3A_301 = arith.andi %eq3A_299, %lt3A_300 : vector<16xi1>
      %or3A_302 = arith.ori %gt3A_298, %and3A_301 : vector<16xi1>
      %select_n3A_303 = arith.select %or3A_302, %select_n3A_297, %scan3A_234 : vector<16xi1>, vector<16xf32>
      %select_n3A_304 = arith.select %or3A_302, %add3A_272, %scan3A_235 : vector<16xi1>, vector<16xi32>
      %add3A_305 = arith.addi %scan3A_233, %reduce_max3A_294 : i32
      scf.yield %add3A_305, %select_n3A_303, %select_n3A_304 : i32, vector<16xf32>, vector<16xi32>
    }
    %scan3A_35 = arith.constant 160 : i32
    %swap3A = arith.index_cast %scan3A_34#0 : i32 to index
    %swap3A_36 = tpu.vector_load %arg5[%swap3A] {strides = array<i32>} : memref<2576xf32, #tpu.memory_space<vmem>>, vector<16xf32>,
    tpu.vector_store %arg5[%swap3A], %broadcast_in_dim3A_27 {strides = array<i32>} : memref<2576xf32, #tpu.memory_space<vmem>>, vector<16xf32>,
    %broadcast_in_dim3A_37 = arith.constant 1073741824 : i32
    %broadcast_in_dim3A_38 = vector.broadcast %broadcast_in_dim3A_37 : i32 to vector<16xi32>
    %swap3A_39 = arith.index_cast %scan3A_34#0 : i32 to index
    %swap3A_40 = tpu.vector_load %arg11[%swap3A_39] {strides = array<i32>} : memref<2576xi32, #tpu.memory_space<vmem>>, vector<16xi32>,
    tpu.vector_store %arg11[%swap3A_39], %broadcast_in_dim3A_38 {strides = array<i32>} : memref<2576xi32, #tpu.memory_space<vmem>>, vector<16xi32>,
    %broadcast_in_dim3A_41 = arith.constant 0.000000e+00 : f32
    %broadcast_in_dim3A_42 = vector.broadcast %broadcast_in_dim3A_41 : f32 to vector<16xf32>
    %swap3A_43 = arith.index_cast %scan3A_34#0 : i32 to index
    %swap3A_44 = tpu.vector_load %arg7[%swap3A_43] {strides = array<i32>} : memref<2576xf32, #tpu.memory_space<vmem>>, vector<16xf32>,
    tpu.vector_store %arg7[%swap3A_43], %broadcast_in_dim3A_42 {strides = array<i32>} : memref<2576xf32, #tpu.memory_space<vmem>>, vector<16xf32>,
    %broadcast_in_dim3A_45 = arith.constant 0.000000e+00 : f32
    %broadcast_in_dim3A_46 = vector.broadcast %broadcast_in_dim3A_45 : f32 to vector<16xf32>
    %swap3A_47 = arith.index_cast %scan3A_34#0 : i32 to index
    %swap3A_48 = tpu.vector_load %arg8[%swap3A_47] {strides = array<i32>} : memref<2576xf32, #tpu.memory_space<vmem>>, vector<16xf32>,
    tpu.vector_store %arg8[%swap3A_47], %broadcast_in_dim3A_46 {strides = array<i32>} : memref<2576xf32, #tpu.memory_space<vmem>>, vector<16xf32>,
    %broadcast_in_dim3A_49 = arith.constant -1.000000e+00 : f32
    %broadcast_in_dim3A_50 = vector.broadcast %broadcast_in_dim3A_49 : f32 to vector<16xf32>
    %swap3A_51 = arith.index_cast %scan3A_34#0 : i32 to index
    %swap3A_52 = tpu.vector_load %arg9[%swap3A_51] {strides = array<i32>} : memref<2576xf32, #tpu.memory_space<vmem>>, vector<16xf32>,
    tpu.vector_store %arg9[%swap3A_51], %broadcast_in_dim3A_50 {strides = array<i32>} : memref<2576xf32, #tpu.memory_space<vmem>>, vector<16xf32>,
    %broadcast_in_dim3A_53 = arith.constant -1.000000e+00 : f32
    %broadcast_in_dim3A_54 = vector.broadcast %broadcast_in_dim3A_53 : f32 to vector<16xf32>
    %swap3A_55 = arith.index_cast %scan3A_34#0 : i32 to index
    %swap3A_56 = tpu.vector_load %arg10[%swap3A_55] {strides = array<i32>} : memref<2576xf32, #tpu.memory_space<vmem>>, vector<16xf32>,
    tpu.vector_store %arg10[%swap3A_55], %broadcast_in_dim3A_54 {strides = array<i32>} : memref<2576xf32, #tpu.memory_space<vmem>>, vector<16xf32>,
    %broadcast_in_dim3A_57 = arith.constant 0.000000e+00 : f32
    %broadcast_in_dim3A_58 = vector.broadcast %broadcast_in_dim3A_57 : f32 to vector<16xf32>
    %swap3A_59 = arith.index_cast %scan3A_34#0 : i32 to index
    %swap3A_60 = tpu.vector_load %arg6[%swap3A_59] {strides = array<i32>} : memref<2576xf32, #tpu.memory_space<vmem>>, vector<16xf32>,
    tpu.vector_store %arg6[%swap3A_59], %broadcast_in_dim3A_58 {strides = array<i32>} : memref<2576xf32, #tpu.memory_space<vmem>>, vector<16xf32>,
    %add3A_61 = arith.constant 16 : i32
    %add3A_62 = arith.addi %scan3A_34#0, %add3A_61 : i32
    %sub3A_63 = arith.constant 1 : i32
    %sub3A_64 = arith.subi %add3A_62, %sub3A_63 : i32
    %jit3A_65 = arith.constant 16 : i32
    %div3A_66 = arith.divsi %sub3A_64, %jit3A_65 : i32
    %sign3A_67 = arith.constant 0 : i32
    %sign3A_68 = arith.cmpi sgt, %sub3A_64, %sign3A_67 : i32
    %sign3A_69 = arith.extui %sign3A_68 : i1 to i32
    %sign3A_70 = arith.constant 0 : i32
    %sign3A_71 = arith.cmpi slt, %sub3A_64, %sign3A_70 : i32
    %sign3A_72 = arith.extui %sign3A_71 : i1 to i32
    %sign3A_73 = arith.subi %sign3A_69, %sign3A_72 : i32
    %sign3A_74 = arith.constant 0 : i32
    %sign3A_75 = arith.cmpi sgt, %jit3A_65, %sign3A_74 : i32
    %sign3A_76 = arith.extui %sign3A_75 : i1 to i32
    %sign3A_77 = arith.constant 0 : i32
    %sign3A_78 = arith.cmpi slt, %jit3A_65, %sign3A_77 : i32
    %sign3A_79 = arith.extui %sign3A_78 : i1 to i32
    %sign3A_80 = arith.subi %sign3A_76, %sign3A_79 : i32
    %ne3A_81 = arith.cmpi ne, %sign3A_73, %sign3A_80 : i32
    %rem3A_82 = arith.remsi %sub3A_64, %jit3A_65 : i32
    %ne3A_83 = arith.constant 0 : i32
    %ne3A_84 = arith.cmpi ne, %rem3A_82, %ne3A_83 : i32
    %and3A_85 = arith.andi %ne3A_81, %ne3A_84 : i1
    %sub3A_86 = arith.constant 1 : i32
    %sub3A_87 = arith.subi %div3A_66, %sub3A_86 : i32
    %select_n3A_88 = arith.select %and3A_85, %sub3A_87, %div3A_66 : i32
    %mul3A_89 = arith.constant 16 : i32
    %mul3A_90 = arith.muli %select_n3A_88, %mul3A_89 : i32
    %reduce_max3A = arith.constant true
    %reduce_max3A_91 = vector.broadcast %reduce_max3A : i1 to vector<16xi1>
    %reduce_max3A_92 = tpu.scan <max>, %scan3A_34#1 masked %reduce_max3A_91 : vector<16xf32>, vector<16xi1> -> vector<16xf32>
    %reduce_max3A_93 = vector.extract %reduce_max3A_92[15] : f32 from vector<16xf32>
    %eq3A_94 = vector.broadcast %reduce_max3A_93 : f32 to vector<16xf32>
    %eq3A_95 = arith.cmpf oeq, %scan3A_34#1, %eq3A_94 : vector<16xf32>
    %jit3A_96 = arith.constant 1073741824 : i32
    %broadcast_in_dim3A_97 = vector.broadcast %jit3A_96 : i32 to vector<16xi32>
    %select_n3A_98 = arith.select %eq3A_95, %scan3A_34#2, %broadcast_in_dim3A_97 : vector<16xi1>, vector<16xi32>
    %reduce_min3A = arith.constant true
    %reduce_min3A_99 = vector.broadcast %reduce_min3A : i1 to vector<16xi1>
    %reduce_min3A_100 = arith.constant -2147483648 : i32
    %reduce_min3A_101 = vector.broadcast %reduce_min3A_100 : i32 to vector<16xi32>
    %reduce_min3A_102 = arith.xori %select_n3A_98, %reduce_min3A_101 : vector<16xi32>
    %reduce_min3A_103 = tpu.scan <min>, %reduce_min3A_102 masked %reduce_min3A_99 : vector<16xi32>, vector<16xi1> -> vector<16xi32>
    %reduce_min3A_104 = arith.xori %reduce_min3A_103, %reduce_min3A_101 : vector<16xi32>
    %reduce_min3A_105 = vector.extract %reduce_min3A_104[15] : i32 from vector<16xi32>
    %broadcast_in_dim3A_106 = vector.broadcast %reduce_max3A_93 : f32 to vector<16xf32>
    %broadcast_in_dim3A_107 = vector.broadcast %reduce_min3A_105 : i32 to vector<16xi32>
    %bitcast3A = vector.bitcast %broadcast_in_dim3A_107 : vector<16xi32> to vector<16xf32>
    %lt3A = arith.constant 8 : i32
    %lt3A_108 = vector.broadcast %lt3A : i32 to vector<16xi32>
    %lt3A_109 = arith.cmpi slt, %iota3A, %lt3A_108 : vector<16xi32>
    %select_n3A_110 = arith.select %lt3A_109, %broadcast_in_dim3A_106, %bitcast3A : vector<16xi1>, vector<16xf32>
    %swap3A_111 = arith.constant 0 : i32
    %swap3A_112 = arith.index_cast %swap3A_111 : i32 to index
    %swap3A_113 = arith.constant 0 : index
    %swap3A_114 = tpu.vector_load %arg13[%swap3A_112, %swap3A_113] {strides = array<i32>} : memref<2x16xf32, #tpu.memory_space<vmem>>, vector<16xf32>,
    tpu.vector_store %arg13[%swap3A_112, %swap3A_113], %select_n3A_110 {strides = array<i32>} : memref<2x16xf32, #tpu.memory_space<vmem>>, vector<16xf32>,
    %mul3A_115 = arith.constant 16 : i32
    %mul3A_116 = arith.muli %arg1, %mul3A_115 : i32
    %run_scoped3A = arith.constant 0 : i32
    "tpu.region"() ({
      %run_scoped3A_232 = tpu.sem_alloc : memref<!tpu.dma_semaphore, #tpu.memory_space<semaphore_mem>>
      %dma_start3A = arith.constant 0 : i32
      %dma_start3A_233 = tpu.memref_slice %arg13[%run_scoped3A, %dma_start3A] : memref<2x16xf32, #tpu.memory_space<vmem>> -> memref<1x16xf32, #tpu.memory_space<vmem>>
      %dma_start3A_234 = tpu.memref_squeeze %dma_start3A_233 : memref<1x16xf32, #tpu.memory_space<vmem>> -> memref<16xf32, #tpu.memory_space<vmem>>
      %dma_start3A_235 = tpu.memref_slice %arg15[%mul3A_116] : memref<256xf32, #tpu.memory_space<vmem_shared>> -> memref<16xf32, #tpu.memory_space<vmem_shared>>
      %dma_start3A_236 = tpu.memref_slice %arg15[%mul3A_116] : memref<256xf32, #tpu.memory_space<vmem_shared>> -> memref<16xf32, #tpu.memory_space<vmem_shared>>
      %dma_start3A_237 = arith.constant 0 : i32
      %dma_start3A_238 = tpu.memref_slice %arg13[%run_scoped3A, %dma_start3A_237] : memref<2x16xf32, #tpu.memory_space<vmem>> -> memref<1x16xf32, #tpu.memory_space<vmem>>
      %dma_start3A_239 = tpu.memref_squeeze %dma_start3A_238 : memref<1x16xf32, #tpu.memory_space<vmem>> -> memref<16xf32, #tpu.memory_space<vmem>>
      tpu.enqueue_dma source(%dma_start3A_239 : memref<16xf32, #tpu.memory_space<vmem>>) target(%dma_start3A_236 : memref<16xf32, #tpu.memory_space<vmem_shared>>) target_semaphore(%run_scoped3A_232 : memref<!tpu.dma_semaphore, #tpu.memory_space<semaphore_mem>>)
      %dma_wait3A = arith.constant 0 : i32
      %dma_wait3A_240 = tpu.memref_slice %arg13[%run_scoped3A, %dma_wait3A] : memref<2x16xf32, #tpu.memory_space<vmem>> -> memref<1x16xf32, #tpu.memory_space<vmem>>
      %dma_wait3A_241 = tpu.memref_squeeze %dma_wait3A_240 : memref<1x16xf32, #tpu.memory_space<vmem>> -> memref<16xf32, #tpu.memory_space<vmem>>
      %dma_wait3A_242 = tpu.memref_slice %arg15[%mul3A_116] : memref<256xf32, #tpu.memory_space<vmem_shared>> -> memref<16xf32, #tpu.memory_space<vmem_shared>>
      %dma_wait3A_243 = tpu.memref_slice %arg15[%mul3A_116] : memref<256xf32, #tpu.memory_space<vmem_shared>> -> memref<16xf32, #tpu.memory_space<vmem_shared>>
      %dma_wait3A_244 = arith.constant 0 : i32
      %dma_wait3A_245 = tpu.memref_slice %arg13[%run_scoped3A, %dma_wait3A_244] : memref<2x16xf32, #tpu.memory_space<vmem>> -> memref<1x16xf32, #tpu.memory_space<vmem>>
      %dma_wait3A_246 = tpu.memref_squeeze %dma_wait3A_245 : memref<1x16xf32, #tpu.memory_space<vmem>> -> memref<16xf32, #tpu.memory_space<vmem>>
      tpu.wait_dma2 semaphore(%run_scoped3A_232 : memref<!tpu.dma_semaphore, #tpu.memory_space<semaphore_mem>>) src(%dma_wait3A_246 : memref<16xf32, #tpu.memory_space<vmem>>) dst(%dma_wait3A_243 : memref<16xf32, #tpu.memory_space<vmem_shared>>)
      tpu.yield
    }) : () -> ()
    %barrier3A = arith.constant 0 : index
    tpu.barrier barrier_id(%barrier3A)
    "tpu.region"() ({
      %run_scoped3A_232 = tpu.sem_alloc : memref<!tpu.dma_semaphore, #tpu.memory_space<semaphore_mem>>
      tpu.enqueue_dma source(%arg15 : memref<256xf32, #tpu.memory_space<vmem_shared>>) target(%arg14 : memref<256xf32, #tpu.memory_space<vmem>>) target_semaphore(%run_scoped3A_232 : memref<!tpu.dma_semaphore, #tpu.memory_space<semaphore_mem>>)
      tpu.wait_dma2 semaphore(%run_scoped3A_232 : memref<!tpu.dma_semaphore, #tpu.memory_space<semaphore_mem>>) src(%arg15 : memref<256xf32, #tpu.memory_space<vmem_shared>>) dst(%arg14 : memref<256xf32, #tpu.memory_space<vmem>>)
      tpu.yield
    }) : () -> ()
    %mul3A_117 = arith.constant 16 : i32
    %mul3A_118 = arith.muli %select_n3A_26, %mul3A_117 : i32
    %add3A_119 = vector.broadcast %mul3A_118 : i32 to vector<16xi32>
    %add3A_120 = arith.addi %add3A_119, %iota3A : vector<16xi32>
    %gather3A = tpu.vector_load_idx %arg14[%add3A_120] : memref<256xf32, #tpu.memory_space<vmem>>[vector<16xi32>], vector<16xf32>,
    %barrier3A_121 = arith.constant 0 : index
    tpu.barrier barrier_id(%barrier3A_121)
    %lt3A_122 = arith.constant 8 : i32
    %lt3A_123 = vector.broadcast %lt3A_122 : i32 to vector<16xi32>
    %lt3A_124 = arith.cmpi slt, %iota3A, %lt3A_123 : vector<16xi32>
    %jit3A_125 = arith.constant 0xFF800000 : f32
    %broadcast_in_dim3A_126 = vector.broadcast %jit3A_125 : f32 to vector<16xf32>
    %select_n3A_127 = arith.select %lt3A_124, %gather3A, %broadcast_in_dim3A_126 : vector<16xi1>, vector<16xf32>
    %reduce_max3A_128 = arith.constant true
    %reduce_max3A_129 = vector.broadcast %reduce_max3A_128 : i1 to vector<16xi1>
    %reduce_max3A_130 = tpu.scan <max>, %select_n3A_127 masked %reduce_max3A_129 : vector<16xf32>, vector<16xi1> -> vector<16xf32>
    %reduce_max3A_131 = vector.extract %reduce_max3A_130[15] : f32 from vector<16xf32>
    %bitcast3A_132 = vector.bitcast %gather3A : vector<16xf32> to vector<16xi32>
    %ge3A = arith.constant 8 : i32
    %ge3A_133 = vector.broadcast %ge3A : i32 to vector<16xi32>
    %ge3A_134 = arith.cmpi sge, %iota3A, %ge3A_133 : vector<16xi32>
    %jit3A_135 = arith.constant -2147483647 : i32
    %broadcast_in_dim3A_136 = vector.broadcast %jit3A_135 : i32 to vector<16xi32>
    %select_n3A_137 = arith.select %ge3A_134, %bitcast3A_132, %broadcast_in_dim3A_136 : vector<16xi1>, vector<16xi32>
    %reduce_max3A_138 = arith.constant true
    %reduce_max3A_139 = vector.broadcast %reduce_max3A_138 : i1 to vector<16xi1>
    %reduce_max3A_140 = arith.constant -2147483648 : i32
    %reduce_max3A_141 = vector.broadcast %reduce_max3A_140 : i32 to vector<16xi32>
    %reduce_max3A_142 = arith.xori %select_n3A_137, %reduce_max3A_141 : vector<16xi32>
    %reduce_max3A_143 = tpu.scan <max>, %reduce_max3A_142 masked %reduce_max3A_139 : vector<16xi32>, vector<16xi1> -> vector<16xi32>
    %reduce_max3A_144 = arith.xori %reduce_max3A_143, %reduce_max3A_141 : vector<16xi32>
    %reduce_max3A_145 = vector.extract %reduce_max3A_144[15] : i32 from vector<16xi32>
    %gt3A = arith.cmpf ogt, %reduce_max3A_131, %reduce_max3A_93 : f32
    %eq3A_146 = arith.cmpf oeq, %reduce_max3A_131, %reduce_max3A_93 : f32
    %lt3A_147 = arith.cmpi slt, %reduce_max3A_145, %reduce_min3A_105 : i32
    %and3A_148 = arith.andi %eq3A_146, %lt3A_147 : i1
    %or3A = arith.ori %gt3A, %and3A_148 : i1
    %select_n3A_149 = arith.select %or3A, %reduce_max3A_131, %reduce_max3A_93 : f32
    %select_n3A_150 = arith.select %or3A, %reduce_max3A_145, %reduce_min3A_105 : i32
    %scan3A_151 = arith.constant 0 : i32
    %scan3A_152 = arith.constant 49 : i32
    %scan3A_153 = arith.addi %scan3A_151, %scan3A_152 : i32
    %scan3A_154 = arith.constant 1 : i32
    %scan3A_155:2 = scf.for %scan3A_232 = %scan3A_151 to %scan3A_153 step %scan3A_154 iter_args(%scan3A_233 = %select_n3A_149, %scan3A_234 = %select_n3A_150) -> (f32, i32)  : i32 {
      %gt3A_235 = arith.constant 0xFF800000 : f32
      %gt3A_236 = arith.cmpf ogt, %scan3A_233, %gt3A_235 : f32
      %max3A_237 = arith.constant 0 : i32
      %max3A_238 = arith.maxsi %scan3A_234, %max3A_237 : i32
      %min3A_239 = arith.constant 5119 : i32
      %min3A_240 = arith.minsi %max3A_238, %min3A_239 : i32
      %broadcast_in_dim3A_241 = vector.broadcast %min3A_240 : i32 to vector<16xi32>
      %broadcast_in_dim3A_242 = arith.constant 0 : i32
      %broadcast_in_dim3A_243 = vector.broadcast %broadcast_in_dim3A_242 : i32 to vector<16xi32>
      %gather3A_244 = tpu.vector_load_idx %arg4[%broadcast_in_dim3A_243, %broadcast_in_dim3A_241] : memref<6x5120xf32, #tpu.memory_space<vmem>>[vector<16xi32>, vector<16xi32>], vector<16xf32>,
      %add3A_245 = arith.constant 1 : i32
      %add3A_246 = vector.broadcast %add3A_245 : i32 to vector<16xi32>
      %add3A_247 = arith.addi %broadcast_in_dim3A_243, %add3A_246 : vector<16xi32>
      %gather3A_248 = tpu.vector_load_idx %arg4[%add3A_247, %broadcast_in_dim3A_241] : memref<6x5120xf32, #tpu.memory_space<vmem>>[vector<16xi32>, vector<16xi32>], vector<16xf32>,
      %add3A_249 = arith.constant 2 : i32
      %add3A_250 = vector.broadcast %add3A_249 : i32 to vector<16xi32>
      %add3A_251 = arith.addi %broadcast_in_dim3A_243, %add3A_250 : vector<16xi32>
      %gather3A_252 = tpu.vector_load_idx %arg4[%add3A_251, %broadcast_in_dim3A_241] : memref<6x5120xf32, #tpu.memory_space<vmem>>[vector<16xi32>, vector<16xi32>], vector<16xf32>,
      %add3A_253 = arith.constant 3 : i32
      %add3A_254 = vector.broadcast %add3A_253 : i32 to vector<16xi32>
      %add3A_255 = arith.addi %broadcast_in_dim3A_243, %add3A_254 : vector<16xi32>
      %gather3A_256 = tpu.vector_load_idx %arg4[%add3A_255, %broadcast_in_dim3A_241] : memref<6x5120xf32, #tpu.memory_space<vmem>>[vector<16xi32>, vector<16xi32>], vector<16xf32>,
      %add3A_257 = arith.constant 5 : i32
      %add3A_258 = vector.broadcast %add3A_257 : i32 to vector<16xi32>
      %add3A_259 = arith.addi %broadcast_in_dim3A_243, %add3A_258 : vector<16xi32>
      %gather3A_260 = tpu.vector_load_idx %arg4[%add3A_259, %broadcast_in_dim3A_241] : memref<6x5120xf32, #tpu.memory_space<vmem>>[vector<16xi32>, vector<16xi32>], vector<16xf32>,
      %broadcast_in_dim3A_261 = vector.broadcast %scan3A_233 : f32 to vector<16xf32>
      %eq3A_262 = arith.constant 0 : i32
      %eq3A_263 = vector.broadcast %eq3A_262 : i32 to vector<16xi32>
      %eq3A_264 = arith.cmpi eq, %iota3A, %eq3A_263 : vector<16xi32>
      %eq3A_265 = arith.constant 1 : i32
      %eq3A_266 = vector.broadcast %eq3A_265 : i32 to vector<16xi32>
      %eq3A_267 = arith.cmpi eq, %iota3A, %eq3A_266 : vector<16xi32>
      %eq3A_268 = arith.constant 2 : i32
      %eq3A_269 = vector.broadcast %eq3A_268 : i32 to vector<16xi32>
      %eq3A_270 = arith.cmpi eq, %iota3A, %eq3A_269 : vector<16xi32>
      %eq3A_271 = arith.constant 3 : i32
      %eq3A_272 = vector.broadcast %eq3A_271 : i32 to vector<16xi32>
      %eq3A_273 = arith.cmpi eq, %iota3A, %eq3A_272 : vector<16xi32>
      %eq3A_274 = arith.constant 4 : i32
      %eq3A_275 = vector.broadcast %eq3A_274 : i32 to vector<16xi32>
      %eq3A_276 = arith.cmpi eq, %iota3A, %eq3A_275 : vector<16xi32>
      %eq3A_277 = arith.constant 5 : i32
      %eq3A_278 = vector.broadcast %eq3A_277 : i32 to vector<16xi32>
      %eq3A_279 = arith.cmpi eq, %iota3A, %eq3A_278 : vector<16xi32>
      %jit3A_280 = arith.constant -1.000000e+00 : f32
      %broadcast_in_dim3A_281 = vector.broadcast %jit3A_280 : f32 to vector<16xf32>
      %select_n3A_282 = arith.select %eq3A_279, %gather3A_260, %broadcast_in_dim3A_281 : vector<16xi1>, vector<16xf32>
      %select_n3A_283 = arith.select %eq3A_276, %broadcast_in_dim3A_261, %select_n3A_282 : vector<16xi1>, vector<16xf32>
      %select_n3A_284 = arith.select %eq3A_273, %gather3A_256, %select_n3A_283 : vector<16xi1>, vector<16xf32>
      %select_n3A_285 = arith.select %eq3A_270, %gather3A_252, %select_n3A_284 : vector<16xi1>, vector<16xf32>
      %select_n3A_286 = arith.select %eq3A_267, %gather3A_248, %select_n3A_285 : vector<16xi1>, vector<16xf32>
      %select_n3A_287 = arith.select %eq3A_264, %gather3A_244, %select_n3A_286 : vector<16xi1>, vector<16xf32>
      %jit3A_288 = arith.constant -1.000000e+00 : f32
      %broadcast_in_dim3A_289 = vector.broadcast %jit3A_288 : f32 to vector<16xf32>
      %select_n3A_290 = arith.select %gt3A_236, %select_n3A_287, %broadcast_in_dim3A_289 : vector<16xf32>
      %mul3A_291 = arith.constant 16 : i32
      %mul3A_292 = arith.muli %scan3A_232, %mul3A_291 : i32
      %swap3A_293 = arith.index_cast %mul3A_292 : i32 to index
      %swap3A_294 = tpu.vector_load %arg12[%swap3A_293] {strides = array<i32>} : memref<800xf32, #tpu.memory_space<vmem>>, vector<16xf32>,
      tpu.vector_store %arg12[%swap3A_293], %select_n3A_290 {strides = array<i32>} : memref<800xf32, #tpu.memory_space<vmem>>, vector<16xf32>,
      %jit3A_295 = arith.constant 0.000000e+00 : f32
      %broadcast_in_dim3A_296 = vector.broadcast %jit3A_295 : f32 to vector<16xf32>
      %select_n3A_297 = arith.select %gt3A_236, %gather3A_244, %broadcast_in_dim3A_296 : vector<16xf32>
      %jit3A_298 = arith.constant 0.000000e+00 : f32
      %broadcast_in_dim3A_299 = vector.broadcast %jit3A_298 : f32 to vector<16xf32>
      %select_n3A_300 = arith.select %gt3A_236, %gather3A_248, %broadcast_in_dim3A_299 : vector<16xf32>
      %jit3A_301 = arith.constant -1.000000e+00 : f32
      %broadcast_in_dim3A_302 = vector.broadcast %jit3A_301 : f32 to vector<16xf32>
      %select_n3A_303 = arith.select %gt3A_236, %gather3A_252, %broadcast_in_dim3A_302 : vector<16xf32>
      %jit3A_304 = arith.constant -1.000000e+00 : f32
      %broadcast_in_dim3A_305 = vector.broadcast %jit3A_304 : f32 to vector<16xf32>
      %select_n3A_306 = arith.select %gt3A_236, %gather3A_256, %broadcast_in_dim3A_305 : vector<16xf32>
      %broadcast_in_dim3A_307 = vector.broadcast %scan3A_234 : i32 to vector<16xi32>
      %jit3A_308 = arith.constant -1 : i32
      %broadcast_in_dim3A_309 = vector.broadcast %jit3A_308 : i32 to vector<16xi32>
      %select_n3A_310 = arith.select %gt3A_236, %broadcast_in_dim3A_307, %broadcast_in_dim3A_309 : vector<16xi32>
      %sub3A_311 = arith.subf %select_n3A_303, %select_n3A_297 : vector<16xf32>
      %max3A_312 = arith.constant 0.000000e+00 : f32
      %max3A_313 = vector.broadcast %max3A_312 : f32 to vector<16xf32>
      %max3A_314 = arith.maximumf %sub3A_311, %max3A_313 : vector<16xf32>
      %sub3A_315 = arith.subf %select_n3A_306, %select_n3A_300 : vector<16xf32>
      %max3A_316 = arith.constant 0.000000e+00 : f32
      %max3A_317 = vector.broadcast %max3A_316 : f32 to vector<16xf32>
      %max3A_318 = arith.maximumf %sub3A_315, %max3A_317 : vector<16xf32>
      %mul3A_319 = arith.mulf %max3A_314, %max3A_318 : vector<16xf32>
      %parallel_loop3A = arith.constant 0 : i32
      %parallel_loop3A_320 = arith.constant 16 : i32
      %parallel_loop3A_321:2 = scf.for %parallel_loop3A_392 = %parallel_loop3A to %mul3A_90 step %parallel_loop3A_320 iter_args(%parallel_loop3A_393 = %broadcast_in_dim3A_27, %parallel_loop3A_394 = %broadcast_in_dim3A_29) -> (vector<16xf32>, vector<16xi32>)  : i32 {
        %parallel_loop3A_395 = arith.index_cast %parallel_loop3A_392 : i32 to index
        %parallel_loop3A_396 = tpu.vector_load %arg7[%parallel_loop3A_395] {strides = array<i32>} : memref<2576xf32, #tpu.memory_space<vmem>>, vector<16xf32>,
        %parallel_loop3A_397 = arith.index_cast %parallel_loop3A_392 : i32 to index
        %parallel_loop3A_398 = tpu.vector_load %arg8[%parallel_loop3A_397] {strides = array<i32>} : memref<2576xf32, #tpu.memory_space<vmem>>, vector<16xf32>,
        %parallel_loop3A_399 = arith.index_cast %parallel_loop3A_392 : i32 to index
        %parallel_loop3A_400 = tpu.vector_load %arg9[%parallel_loop3A_399] {strides = array<i32>} : memref<2576xf32, #tpu.memory_space<vmem>>, vector<16xf32>,
        %parallel_loop3A_401 = arith.index_cast %parallel_loop3A_392 : i32 to index
        %parallel_loop3A_402 = tpu.vector_load %arg10[%parallel_loop3A_401] {strides = array<i32>} : memref<2576xf32, #tpu.memory_space<vmem>>, vector<16xf32>,
        %parallel_loop3A_403 = arith.index_cast %parallel_loop3A_392 : i32 to index
        %parallel_loop3A_404 = tpu.vector_load %arg5[%parallel_loop3A_403] {strides = array<i32>} : memref<2576xf32, #tpu.memory_space<vmem>>, vector<16xf32>,
        %parallel_loop3A_405 = arith.index_cast %parallel_loop3A_392 : i32 to index
        %parallel_loop3A_406 = tpu.vector_load %arg6[%parallel_loop3A_405] {strides = array<i32>} : memref<2576xf32, #tpu.memory_space<vmem>>, vector<16xf32>,
        %parallel_loop3A_407 = arith.index_cast %parallel_loop3A_392 : i32 to index
        %parallel_loop3A_408 = tpu.vector_load %arg11[%parallel_loop3A_407] {strides = array<i32>} : memref<2576xi32, #tpu.memory_space<vmem>>, vector<16xi32>,
        %parallel_loop3A_409 = arith.maximumf %select_n3A_297, %parallel_loop3A_396 : vector<16xf32>
        %parallel_loop3A_410 = arith.maximumf %select_n3A_300, %parallel_loop3A_398 : vector<16xf32>
        %parallel_loop3A_411 = arith.minimumf %select_n3A_303, %parallel_loop3A_400 : vector<16xf32>
        %parallel_loop3A_412 = arith.minimumf %select_n3A_306, %parallel_loop3A_402 : vector<16xf32>
        %parallel_loop3A_413 = arith.subf %parallel_loop3A_411, %parallel_loop3A_409 : vector<16xf32>
        %parallel_loop3A_414 = arith.constant 0.000000e+00 : f32
        %parallel_loop3A_415 = vector.broadcast %parallel_loop3A_414 : f32 to vector<16xf32>
        %parallel_loop3A_416 = arith.maximumf %parallel_loop3A_413, %parallel_loop3A_415 : vector<16xf32>
        %parallel_loop3A_417 = arith.subf %parallel_loop3A_412, %parallel_loop3A_410 : vector<16xf32>
        %parallel_loop3A_418 = arith.constant 0.000000e+00 : f32
        %parallel_loop3A_419 = vector.broadcast %parallel_loop3A_418 : f32 to vector<16xf32>
        %parallel_loop3A_420 = arith.maximumf %parallel_loop3A_417, %parallel_loop3A_419 : vector<16xf32>
        %parallel_loop3A_421 = arith.mulf %parallel_loop3A_416, %parallel_loop3A_420 : vector<16xf32>
        %parallel_loop3A_422 = arith.addf %mul3A_319, %parallel_loop3A_406 : vector<16xf32>
        %parallel_loop3A_423 = arith.subf %parallel_loop3A_422, %parallel_loop3A_421 : vector<16xf32>
        %parallel_loop3A_424 = arith.constant 9.99999971E-10 : f32
        %parallel_loop3A_425 = vector.broadcast %parallel_loop3A_424 : f32 to vector<16xf32>
        %parallel_loop3A_426 = arith.addf %parallel_loop3A_423, %parallel_loop3A_425 : vector<16xf32>
        %parallel_loop3A_427 = arith.divf %parallel_loop3A_421, %parallel_loop3A_426 : vector<16xf32>
        %parallel_loop3A_428 = arith.constant 4.500000e-01 : f32
        %parallel_loop3A_429 = vector.broadcast %parallel_loop3A_428 : f32 to vector<16xf32>
        %parallel_loop3A_430 = arith.cmpf oge, %parallel_loop3A_427, %parallel_loop3A_429 : vector<16xf32>
        %parallel_loop3A_431 = arith.cmpi eq, %parallel_loop3A_408, %select_n3A_310 : vector<16xi32>
        %parallel_loop3A_432 = arith.ori %parallel_loop3A_430, %parallel_loop3A_431 : vector<16xi1>
        %parallel_loop3A_433 = arith.constant 0xFF800000 : f32
        %parallel_loop3A_434 = vector.broadcast %parallel_loop3A_433 : f32 to vector<16xf32>
        %parallel_loop3A_435 = arith.select %parallel_loop3A_432, %parallel_loop3A_434, %parallel_loop3A_404 : vector<16xi1>, vector<16xf32>
        %parallel_loop3A_436 = arith.index_cast %parallel_loop3A_392 : i32 to index
        %parallel_loop3A_437 = tpu.vector_load %arg5[%parallel_loop3A_436] {strides = array<i32>} : memref<2576xf32, #tpu.memory_space<vmem>>, vector<16xf32>,
        tpu.vector_store %arg5[%parallel_loop3A_436], %parallel_loop3A_435 {strides = array<i32>} : memref<2576xf32, #tpu.memory_space<vmem>>, vector<16xf32>,
        %parallel_loop3A_438 = arith.cmpf ogt, %parallel_loop3A_435, %parallel_loop3A_393 : vector<16xf32>
        %parallel_loop3A_439 = arith.cmpf oeq, %parallel_loop3A_435, %parallel_loop3A_393 : vector<16xf32>
        %parallel_loop3A_440 = arith.cmpi slt, %parallel_loop3A_408, %parallel_loop3A_394 : vector<16xi32>
        %parallel_loop3A_441 = arith.andi %parallel_loop3A_439, %parallel_loop3A_440 : vector<16xi1>
        %parallel_loop3A_442 = arith.ori %parallel_loop3A_438, %parallel_loop3A_441 : vector<16xi1>
        %parallel_loop3A_443 = arith.select %parallel_loop3A_442, %parallel_loop3A_435, %parallel_loop3A_393 : vector<16xi1>, vector<16xf32>
        %parallel_loop3A_444 = arith.select %parallel_loop3A_442, %parallel_loop3A_408, %parallel_loop3A_394 : vector<16xi1>, vector<16xi32>
        scf.yield %parallel_loop3A_443, %parallel_loop3A_444 : vector<16xf32>, vector<16xi32>
      } {sc.loop_unroll_factor = 4 : i64, sc.parallel_access}
      %reduce_max3A_322 = arith.constant true
      %reduce_max3A_323 = vector.broadcast %reduce_max3A_322 : i1 to vector<16xi1>
      %reduce_max3A_324 = tpu.scan <max>, %parallel_loop3A_321#0 masked %reduce_max3A_323 : vector<16xf32>, vector<16xi1> -> vector<16xf32>
      %reduce_max3A_325 = vector.extract %reduce_max3A_324[15] : f32 from vector<16xf32>
      %eq3A_326 = vector.broadcast %reduce_max3A_325 : f32 to vector<16xf32>
      %eq3A_327 = arith.cmpf oeq, %parallel_loop3A_321#0, %eq3A_326 : vector<16xf32>
      %jit3A_328 = arith.constant 1073741824 : i32
      %broadcast_in_dim3A_329 = vector.broadcast %jit3A_328 : i32 to vector<16xi32>
      %select_n3A_330 = arith.select %eq3A_327, %parallel_loop3A_321#1, %broadcast_in_dim3A_329 : vector<16xi1>, vector<16xi32>
      %reduce_min3A_331 = arith.constant true
      %reduce_min3A_332 = vector.broadcast %reduce_min3A_331 : i1 to vector<16xi1>
      %reduce_min3A_333 = arith.constant -2147483648 : i32
      %reduce_min3A_334 = vector.broadcast %reduce_min3A_333 : i32 to vector<16xi32>
      %reduce_min3A_335 = arith.xori %select_n3A_330, %reduce_min3A_334 : vector<16xi32>
      %reduce_min3A_336 = tpu.scan <min>, %reduce_min3A_335 masked %reduce_min3A_332 : vector<16xi32>, vector<16xi1> -> vector<16xi32>
      %reduce_min3A_337 = arith.xori %reduce_min3A_336, %reduce_min3A_334 : vector<16xi32>
      %reduce_min3A_338 = vector.extract %reduce_min3A_337[15] : i32 from vector<16xi32>
      %broadcast_in_dim3A_339 = vector.broadcast %reduce_max3A_325 : f32 to vector<16xf32>
      %broadcast_in_dim3A_340 = vector.broadcast %reduce_min3A_338 : i32 to vector<16xi32>
      %bitcast3A_341 = vector.bitcast %broadcast_in_dim3A_340 : vector<16xi32> to vector<16xf32>
      %lt3A_342 = arith.constant 8 : i32
      %lt3A_343 = vector.broadcast %lt3A_342 : i32 to vector<16xi32>
      %lt3A_344 = arith.cmpi slt, %iota3A, %lt3A_343 : vector<16xi32>
      %select_n3A_345 = arith.select %lt3A_344, %broadcast_in_dim3A_339, %bitcast3A_341 : vector<16xi1>, vector<16xf32>
      %swap3A_346 = arith.constant 0 : i32
      %swap3A_347 = arith.index_cast %swap3A_346 : i32 to index
      %swap3A_348 = arith.constant 0 : index
      %swap3A_349 = tpu.vector_load %arg13[%swap3A_347, %swap3A_348] {strides = array<i32>} : memref<2x16xf32, #tpu.memory_space<vmem>>, vector<16xf32>,
      tpu.vector_store %arg13[%swap3A_347, %swap3A_348], %select_n3A_345 {strides = array<i32>} : memref<2x16xf32, #tpu.memory_space<vmem>>, vector<16xf32>,
      %mul3A_350 = arith.constant 16 : i32
      %mul3A_351 = arith.muli %arg1, %mul3A_350 : i32
      %run_scoped3A_352 = arith.constant 0 : i32
      "tpu.region"() ({
        %run_scoped3A_392 = tpu.sem_alloc : memref<!tpu.dma_semaphore, #tpu.memory_space<semaphore_mem>>
        %dma_start3A = arith.constant 0 : i32
        %dma_start3A_393 = tpu.memref_slice %arg13[%run_scoped3A_352, %dma_start3A] : memref<2x16xf32, #tpu.memory_space<vmem>> -> memref<1x16xf32, #tpu.memory_space<vmem>>
        %dma_start3A_394 = tpu.memref_squeeze %dma_start3A_393 : memref<1x16xf32, #tpu.memory_space<vmem>> -> memref<16xf32, #tpu.memory_space<vmem>>
        %dma_start3A_395 = tpu.memref_slice %arg15[%mul3A_351] : memref<256xf32, #tpu.memory_space<vmem_shared>> -> memref<16xf32, #tpu.memory_space<vmem_shared>>
        %dma_start3A_396 = tpu.memref_slice %arg15[%mul3A_351] : memref<256xf32, #tpu.memory_space<vmem_shared>> -> memref<16xf32, #tpu.memory_space<vmem_shared>>
        %dma_start3A_397 = arith.constant 0 : i32
        %dma_start3A_398 = tpu.memref_slice %arg13[%run_scoped3A_352, %dma_start3A_397] : memref<2x16xf32, #tpu.memory_space<vmem>> -> memref<1x16xf32, #tpu.memory_space<vmem>>
        %dma_start3A_399 = tpu.memref_squeeze %dma_start3A_398 : memref<1x16xf32, #tpu.memory_space<vmem>> -> memref<16xf32, #tpu.memory_space<vmem>>
        tpu.enqueue_dma source(%dma_start3A_399 : memref<16xf32, #tpu.memory_space<vmem>>) target(%dma_start3A_396 : memref<16xf32, #tpu.memory_space<vmem_shared>>) target_semaphore(%run_scoped3A_392 : memref<!tpu.dma_semaphore, #tpu.memory_space<semaphore_mem>>)
        %dma_wait3A = arith.constant 0 : i32
        %dma_wait3A_400 = tpu.memref_slice %arg13[%run_scoped3A_352, %dma_wait3A] : memref<2x16xf32, #tpu.memory_space<vmem>> -> memref<1x16xf32, #tpu.memory_space<vmem>>
        %dma_wait3A_401 = tpu.memref_squeeze %dma_wait3A_400 : memref<1x16xf32, #tpu.memory_space<vmem>> -> memref<16xf32, #tpu.memory_space<vmem>>
        %dma_wait3A_402 = tpu.memref_slice %arg15[%mul3A_351] : memref<256xf32, #tpu.memory_space<vmem_shared>> -> memref<16xf32, #tpu.memory_space<vmem_shared>>
        %dma_wait3A_403 = tpu.memref_slice %arg15[%mul3A_351] : memref<256xf32, #tpu.memory_space<vmem_shared>> -> memref<16xf32, #tpu.memory_space<vmem_shared>>
        %dma_wait3A_404 = arith.constant 0 : i32
        %dma_wait3A_405 = tpu.memref_slice %arg13[%run_scoped3A_352, %dma_wait3A_404] : memref<2x16xf32, #tpu.memory_space<vmem>> -> memref<1x16xf32, #tpu.memory_space<vmem>>
        %dma_wait3A_406 = tpu.memref_squeeze %dma_wait3A_405 : memref<1x16xf32, #tpu.memory_space<vmem>> -> memref<16xf32, #tpu.memory_space<vmem>>
        tpu.wait_dma2 semaphore(%run_scoped3A_392 : memref<!tpu.dma_semaphore, #tpu.memory_space<semaphore_mem>>) src(%dma_wait3A_406 : memref<16xf32, #tpu.memory_space<vmem>>) dst(%dma_wait3A_403 : memref<16xf32, #tpu.memory_space<vmem_shared>>)
        tpu.yield
      }) : () -> ()
      %barrier3A_353 = arith.constant 0 : index
      tpu.barrier barrier_id(%barrier3A_353)
      "tpu.region"() ({
        %run_scoped3A_392 = tpu.sem_alloc : memref<!tpu.dma_semaphore, #tpu.memory_space<semaphore_mem>>
        tpu.enqueue_dma source(%arg15 : memref<256xf32, #tpu.memory_space<vmem_shared>>) target(%arg14 : memref<256xf32, #tpu.memory_space<vmem>>) target_semaphore(%run_scoped3A_392 : memref<!tpu.dma_semaphore, #tpu.memory_space<semaphore_mem>>)
        tpu.wait_dma2 semaphore(%run_scoped3A_392 : memref<!tpu.dma_semaphore, #tpu.memory_space<semaphore_mem>>) src(%arg15 : memref<256xf32, #tpu.memory_space<vmem_shared>>) dst(%arg14 : memref<256xf32, #tpu.memory_space<vmem>>)
        tpu.yield
      }) : () -> ()
      %mul3A_354 = arith.constant 16 : i32
      %mul3A_355 = arith.muli %select_n3A_26, %mul3A_354 : i32
      %add3A_356 = vector.broadcast %mul3A_355 : i32 to vector<16xi32>
      %add3A_357 = arith.addi %add3A_356, %iota3A : vector<16xi32>
      %gather3A_358 = tpu.vector_load_idx %arg14[%add3A_357] : memref<256xf32, #tpu.memory_space<vmem>>[vector<16xi32>], vector<16xf32>,
      %barrier3A_359 = arith.constant 0 : index
      tpu.barrier barrier_id(%barrier3A_359)
      %lt3A_360 = arith.constant 8 : i32
      %lt3A_361 = vector.broadcast %lt3A_360 : i32 to vector<16xi32>
      %lt3A_362 = arith.cmpi slt, %iota3A, %lt3A_361 : vector<16xi32>
      %jit3A_363 = arith.constant 0xFF800000 : f32
      %broadcast_in_dim3A_364 = vector.broadcast %jit3A_363 : f32 to vector<16xf32>
      %select_n3A_365 = arith.select %lt3A_362, %gather3A_358, %broadcast_in_dim3A_364 : vector<16xi1>, vector<16xf32>
      %reduce_max3A_366 = arith.constant true
      %reduce_max3A_367 = vector.broadcast %reduce_max3A_366 : i1 to vector<16xi1>
      %reduce_max3A_368 = tpu.scan <max>, %select_n3A_365 masked %reduce_max3A_367 : vector<16xf32>, vector<16xi1> -> vector<16xf32>
      %reduce_max3A_369 = vector.extract %reduce_max3A_368[15] : f32 from vector<16xf32>
      %bitcast3A_370 = vector.bitcast %gather3A_358 : vector<16xf32> to vector<16xi32>
      %ge3A_371 = arith.constant 8 : i32
      %ge3A_372 = vector.broadcast %ge3A_371 : i32 to vector<16xi32>
      %ge3A_373 = arith.cmpi sge, %iota3A, %ge3A_372 : vector<16xi32>
      %jit3A_374 = arith.constant -2147483647 : i32
      %broadcast_in_dim3A_375 = vector.broadcast %jit3A_374 : i32 to vector<16xi32>
      %select_n3A_376 = arith.select %ge3A_373, %bitcast3A_370, %broadcast_in_dim3A_375 : vector<16xi1>, vector<16xi32>
      %reduce_max3A_377 = arith.constant true
      %reduce_max3A_378 = vector.broadcast %reduce_max3A_377 : i1 to vector<16xi1>
      %reduce_max3A_379 = arith.constant -2147483648 : i32
      %reduce_max3A_380 = vector.broadcast %reduce_max3A_379 : i32 to vector<16xi32>
      %reduce_max3A_381 = arith.xori %select_n3A_376, %reduce_max3A_380 : vector<16xi32>
      %reduce_max3A_382 = tpu.scan <max>, %reduce_max3A_381 masked %reduce_max3A_378 : vector<16xi32>, vector<16xi1> -> vector<16xi32>
      %reduce_max3A_383 = arith.xori %reduce_max3A_382, %reduce_max3A_380 : vector<16xi32>
      %reduce_max3A_384 = vector.extract %reduce_max3A_383[15] : i32 from vector<16xi32>
      %gt3A_385 = arith.cmpf ogt, %reduce_max3A_369, %reduce_max3A_325 : f32
      %eq3A_386 = arith.cmpf oeq, %reduce_max3A_369, %reduce_max3A_325 : f32
      %lt3A_387 = arith.cmpi slt, %reduce_max3A_384, %reduce_min3A_338 : i32
      %and3A_388 = arith.andi %eq3A_386, %lt3A_387 : i1
      %or3A_389 = arith.ori %gt3A_385, %and3A_388 : i1
      %select_n3A_390 = arith.select %or3A_389, %reduce_max3A_369, %reduce_max3A_325 : f32
      %select_n3A_391 = arith.select %or3A_389, %reduce_max3A_384, %reduce_min3A_338 : i32
      scf.yield %select_n3A_390, %select_n3A_391 : f32, i32
    }
    %scan3A_156 = arith.constant 49 : i32
    %gt3A_157 = arith.constant 0xFF800000 : f32
    %gt3A_158 = arith.cmpf ogt, %scan3A_155#0, %gt3A_157 : f32
    %max3A = arith.constant 0 : i32
    %max3A_159 = arith.maxsi %scan3A_155#1, %max3A : i32
    %min3A = arith.constant 5119 : i32
    %min3A_160 = arith.minsi %max3A_159, %min3A : i32
    %broadcast_in_dim3A_161 = vector.broadcast %min3A_160 : i32 to vector<16xi32>
    %broadcast_in_dim3A_162 = arith.constant 0 : i32
    %broadcast_in_dim3A_163 = vector.broadcast %broadcast_in_dim3A_162 : i32 to vector<16xi32>
    %gather3A_164 = tpu.vector_load_idx %arg4[%broadcast_in_dim3A_163, %broadcast_in_dim3A_161] : memref<6x5120xf32, #tpu.memory_space<vmem>>[vector<16xi32>, vector<16xi32>], vector<16xf32>,
    %add3A_165 = arith.constant 1 : i32
    %add3A_166 = vector.broadcast %add3A_165 : i32 to vector<16xi32>
    %add3A_167 = arith.addi %broadcast_in_dim3A_163, %add3A_166 : vector<16xi32>
    %gather3A_168 = tpu.vector_load_idx %arg4[%add3A_167, %broadcast_in_dim3A_161] : memref<6x5120xf32, #tpu.memory_space<vmem>>[vector<16xi32>, vector<16xi32>], vector<16xf32>,
    %add3A_169 = arith.constant 2 : i32
    %add3A_170 = vector.broadcast %add3A_169 : i32 to vector<16xi32>
    %add3A_171 = arith.addi %broadcast_in_dim3A_163, %add3A_170 : vector<16xi32>
    %gather3A_172 = tpu.vector_load_idx %arg4[%add3A_171, %broadcast_in_dim3A_161] : memref<6x5120xf32, #tpu.memory_space<vmem>>[vector<16xi32>, vector<16xi32>], vector<16xf32>,
    %add3A_173 = arith.constant 3 : i32
    %add3A_174 = vector.broadcast %add3A_173 : i32 to vector<16xi32>
    %add3A_175 = arith.addi %broadcast_in_dim3A_163, %add3A_174 : vector<16xi32>
    %gather3A_176 = tpu.vector_load_idx %arg4[%add3A_175, %broadcast_in_dim3A_161] : memref<6x5120xf32, #tpu.memory_space<vmem>>[vector<16xi32>, vector<16xi32>], vector<16xf32>,
    %add3A_177 = arith.constant 5 : i32
    %add3A_178 = vector.broadcast %add3A_177 : i32 to vector<16xi32>
    %add3A_179 = arith.addi %broadcast_in_dim3A_163, %add3A_178 : vector<16xi32>
    %gather3A_180 = tpu.vector_load_idx %arg4[%add3A_179, %broadcast_in_dim3A_161] : memref<6x5120xf32, #tpu.memory_space<vmem>>[vector<16xi32>, vector<16xi32>], vector<16xf32>,
    %broadcast_in_dim3A_181 = vector.broadcast %scan3A_155#0 : f32 to vector<16xf32>
    %eq3A_182 = arith.constant 0 : i32
    %eq3A_183 = vector.broadcast %eq3A_182 : i32 to vector<16xi32>
    %eq3A_184 = arith.cmpi eq, %iota3A, %eq3A_183 : vector<16xi32>
    %eq3A_185 = arith.constant 1 : i32
    %eq3A_186 = vector.broadcast %eq3A_185 : i32 to vector<16xi32>
    %eq3A_187 = arith.cmpi eq, %iota3A, %eq3A_186 : vector<16xi32>
    %eq3A_188 = arith.constant 2 : i32
    %eq3A_189 = vector.broadcast %eq3A_188 : i32 to vector<16xi32>
    %eq3A_190 = arith.cmpi eq, %iota3A, %eq3A_189 : vector<16xi32>
    %eq3A_191 = arith.constant 3 : i32
    %eq3A_192 = vector.broadcast %eq3A_191 : i32 to vector<16xi32>
    %eq3A_193 = arith.cmpi eq, %iota3A, %eq3A_192 : vector<16xi32>
    %eq3A_194 = arith.constant 4 : i32
    %eq3A_195 = vector.broadcast %eq3A_194 : i32 to vector<16xi32>
    %eq3A_196 = arith.cmpi eq, %iota3A, %eq3A_195 : vector<16xi32>
    %eq3A_197 = arith.constant 5 : i32
    %eq3A_198 = vector.broadcast %eq3A_197 : i32 to vector<16xi32>
    %eq3A_199 = arith.cmpi eq, %iota3A, %eq3A_198 : vector<16xi32>
    %jit3A_200 = arith.constant -1.000000e+00 : f32
    %broadcast_in_dim3A_201 = vector.broadcast %jit3A_200 : f32 to vector<16xf32>
    %select_n3A_202 = arith.select %eq3A_199, %gather3A_180, %broadcast_in_dim3A_201 : vector<16xi1>, vector<16xf32>
    %select_n3A_203 = arith.select %eq3A_196, %broadcast_in_dim3A_181, %select_n3A_202 : vector<16xi1>, vector<16xf32>
    %select_n3A_204 = arith.select %eq3A_193, %gather3A_176, %select_n3A_203 : vector<16xi1>, vector<16xf32>
    %select_n3A_205 = arith.select %eq3A_190, %gather3A_172, %select_n3A_204 : vector<16xi1>, vector<16xf32>
    %select_n3A_206 = arith.select %eq3A_187, %gather3A_168, %select_n3A_205 : vector<16xi1>, vector<16xf32>
    %select_n3A_207 = arith.select %eq3A_184, %gather3A_164, %select_n3A_206 : vector<16xi1>, vector<16xf32>
    %jit3A_208 = arith.constant -1.000000e+00 : f32
    %broadcast_in_dim3A_209 = vector.broadcast %jit3A_208 : f32 to vector<16xf32>
    %select_n3A_210 = arith.select %gt3A_158, %select_n3A_207, %broadcast_in_dim3A_209 : vector<16xf32>
    %swap3A_211 = arith.constant 784 : index
    %swap3A_212 = tpu.vector_load %arg12[%swap3A_211] {strides = array<i32>} : memref<800xf32, #tpu.memory_space<vmem>>, vector<16xf32>,
    tpu.vector_store %arg12[%swap3A_211], %select_n3A_210 {strides = array<i32>} : memref<800xf32, #tpu.memory_space<vmem>>, vector<16xf32>,
    %jit3A_213 = arith.constant 0.000000e+00 : f32
    %broadcast_in_dim3A_214 = vector.broadcast %jit3A_213 : f32 to vector<16xf32>
    %select_n3A_215 = arith.select %gt3A_158, %gather3A_164, %broadcast_in_dim3A_214 : vector<16xf32>
    %jit3A_216 = arith.constant 0.000000e+00 : f32
    %broadcast_in_dim3A_217 = vector.broadcast %jit3A_216 : f32 to vector<16xf32>
    %select_n3A_218 = arith.select %gt3A_158, %gather3A_168, %broadcast_in_dim3A_217 : vector<16xf32>
    %jit3A_219 = arith.constant -1.000000e+00 : f32
    %broadcast_in_dim3A_220 = vector.broadcast %jit3A_219 : f32 to vector<16xf32>
    %select_n3A_221 = arith.select %gt3A_158, %gather3A_172, %broadcast_in_dim3A_220 : vector<16xf32>
    %jit3A_222 = arith.constant -1.000000e+00 : f32
    %broadcast_in_dim3A_223 = vector.broadcast %jit3A_222 : f32 to vector<16xf32>
    %select_n3A_224 = arith.select %gt3A_158, %gather3A_176, %broadcast_in_dim3A_223 : vector<16xf32>
    %broadcast_in_dim3A_225 = vector.broadcast %scan3A_155#1 : i32 to vector<16xi32>
    %jit3A_226 = arith.constant -1 : i32
    %broadcast_in_dim3A_227 = vector.broadcast %jit3A_226 : i32 to vector<16xi32>
    %select_n3A_228 = arith.select %gt3A_158, %broadcast_in_dim3A_225, %broadcast_in_dim3A_227 : vector<16xi32>
    %eq3A_229 = arith.constant 0 : i32
    %eq3A_230 = arith.cmpi eq, %select_n3A, %eq3A_229 : i32
    %convert_element_type3A = arith.extui %eq3A_230 : i1 to i32
    %cond3A = arith.constant 0 : i32
    %cond3A_231 = arith.cmpi ne, %convert_element_type3A, %cond3A : i32
    scf.if %cond3A_231 {
      "tpu.region"() ({
        %run_scoped3A_232 = tpu.sem_alloc : memref<!tpu.dma_semaphore, #tpu.memory_space<semaphore_mem>>
        %dma_start3A = arith.constant 0 : i32
        %dma_start3A_233 = tpu.memref_slice %arg3[%add3A, %dma_start3A] : memref<16x800xf32, #tpu.memory_space<hbm>> -> memref<1x800xf32, #tpu.memory_space<hbm>>
        %dma_start3A_234 = tpu.memref_squeeze %dma_start3A_233 : memref<1x800xf32, #tpu.memory_space<hbm>> -> memref<800xf32, #tpu.memory_space<hbm>>
        %dma_start3A_235 = arith.constant 0 : i32
        %dma_start3A_236 = tpu.memref_slice %arg3[%add3A, %dma_start3A_235] : memref<16x800xf32, #tpu.memory_space<hbm>> -> memref<1x800xf32, #tpu.memory_space<hbm>>
        %dma_start3A_237 = tpu.memref_squeeze %dma_start3A_236 : memref<1x800xf32, #tpu.memory_space<hbm>> -> memref<800xf32, #tpu.memory_space<hbm>>
        tpu.enqueue_dma source(%arg12 : memref<800xf32, #tpu.memory_space<vmem>>) target(%dma_start3A_237 : memref<800xf32, #tpu.memory_space<hbm>>) target_semaphore(%run_scoped3A_232 : memref<!tpu.dma_semaphore, #tpu.memory_space<semaphore_mem>>)
        %dma_wait3A = arith.constant 0 : i32
        %dma_wait3A_238 = tpu.memref_slice %arg3[%add3A, %dma_wait3A] : memref<16x800xf32, #tpu.memory_space<hbm>> -> memref<1x800xf32, #tpu.memory_space<hbm>>
        %dma_wait3A_239 = tpu.memref_squeeze %dma_wait3A_238 : memref<1x800xf32, #tpu.memory_space<hbm>> -> memref<800xf32, #tpu.memory_space<hbm>>
        %dma_wait3A_240 = arith.constant 0 : i32
        %dma_wait3A_241 = tpu.memref_slice %arg3[%add3A, %dma_wait3A_240] : memref<16x800xf32, #tpu.memory_space<hbm>> -> memref<1x800xf32, #tpu.memory_space<hbm>>
        %dma_wait3A_242 = tpu.memref_squeeze %dma_wait3A_241 : memref<1x800xf32, #tpu.memory_space<hbm>> -> memref<800xf32, #tpu.memory_space<hbm>>
        tpu.wait_dma2 semaphore(%run_scoped3A_232 : memref<!tpu.dma_semaphore, #tpu.memory_space<semaphore_mem>>) src(%arg12 : memref<800xf32, #tpu.memory_space<vmem>>) dst(%dma_wait3A_242 : memref<800xf32, #tpu.memory_space<hbm>>)
        tpu.yield
      }) : () -> ()
    } else {
    }
    return
  }
}

</mosaic_0001>

<sc_bundles>
// kernel: kernel.3.cloned.1.call-start
scs
__scs_entry_jumppad:
0x0: {  	(pc) =	sbr.rel $0x88, $3  }
0x1: {  	(tag) =	ssettag $0x0;
	lr =	simm.s32 $0x1  }
0x2: {  	[smem:$0x3FA0] =	sst lr;
	_ =	strace $0xD0000000  }
0x3: {  	_ = 	snop  }
0x4: {  	_ = 	snop  }
0x5: {  	_ = 	snop  }
0x6: {  	_ = 	snop  }
0x7: {  	_ = 	snop  }
__scs_overlays_trampoline_lowered:
0x8: {  	[smem:$0x3FAF] =	sst s0  }
0x9: {  	[smem:$0x3FB0] =	sst s1  }
0xa: {  	[smem:$0x3FB1] =	sst s2  }
0xb: {  	[smem:$0x3FB2] =	sst s3  }
0xc: {  	[smem:$0x3FB3] =	sst s4  }
0xd: {  	[smem:$0x3FB4] =	sst s5  }
0xe: {  	[smem:$0x3FB5] =	sst s6  }
0xf: {  	[smem:$0x3FB6] =	sst s7  }
0x10: {  	[smem:$0x3FB7] =	sst s8  }
0x11: {  	[smem:$0x3FB8] =	sst s9;
	s0 =	simm.s32 @!p0 $0x0  }
0x12: {  	s1 =	sld [smem:$0x3F9E];
	s0 =	simm.s32 @p0 $0x1  }
0x13: {  	[smem:$0x3FB9] =	sst s0;
	s0 =	simm.s32 @!p1 $0x0  }
0x14: {  	s2 =	sld [smem:$0x3F9D];
	s0 =	simm.s32 @p1 $0x1  }
0x15: {  	[smem:$0x3FBA] =	sst s0;
	s0 =	simm.s32 @!p2 $0x0  }
0x16: {  	s3 =	sld [smem:$0x3FDB];
	s0 =	simm.s32 @p2 $0x1  }
0x17: {  	s4 =	simm.s32 $0x1BF5;
	[smem:$0x3FBC] =	sst s0  }
0x18: {  	s0 =	sld [smem:$0x3F9F];
	_ =	swait.ge [sflag:s4], $0x0  }
0x19: {  	s7 =	sld [smem:$0x3FA0]  }
0x1a: {  	s8 =	sadd.s32 $0xFFFFE003, lr  }
0x1b: {  	s9 =	sadd.s32 $0xFFFFFEF7, lr;
	s5 =	simm.s32 $0xFFFFFFFF;
	p2 =	slt.u32 s8, $0xFFFFF086  }
0x1c: {  	p1 =	slt.u32 s9, $0xF7A;
	s5 =	simm.s32 @!p2 $0x0  }
0x1d: {  	s5 =	simm.s32 @p1 $0x1;
	p0 =	seq.s32 s7, s2  }
0x1e: {  	s7 =	smul.u32 @!p0 $0xF7A, s2;
	p2 =	seq.s32 @!p0 s5, $0x0  }
0x1f: {  	s9 =	smul.u32 $0xF7A, s1;
	s8 =	simm.s32 @!p0 $0x1BF5;
	p2 =	por !p2, p0  }
0x20: {  	[sflag:s8] =	ssyncset.s32 @!p0 $0xFFFFF086;
	s6 =	sadd.s32 @!p0 s3, s7;
	s7 =	simm.s32 @!p0 $0x108  }
0x21: {  	s3 =	sadd.s32 s3, s9;
	s6 =	sadd.s32 @!p0 $0x88, s6;
	s7 =	simm.s32 @p2 $0x1082  }
0x22: {  	[simem:s7], [sflag:s8] =	dma.local @!p0 [hbm:s6], $0xF7A  }
0x23: {  	s9 =	sor.u32 $0xD0000000, s2;
	s6 =	simm.s32 $0x108;
	_ =	swait.ge @!p0 [sflag:s8], $0x0  }
0x24: {  	s3 =	sadd.s32 $0x88, s3;
	s6 =	simm.s32 @!p1 $0x1082;
	[sflag:s4] =	ssyncset.s32 $0xFFFFF086  }
0x25: {  	[simem:s6], [sflag:s4] =	dma.local [hbm:s3], $0xF7A  }
0x26: {  	[smem:$0x3FA0] =	sst s1;
	(tag) =	ssettag s2;
	_ =	strace s9  }
0x27: {  	s1 =	sld [smem:$0x3FB0]  }
0x28: {  	s2 =	sld [smem:$0x3FB1]  }
0x29: {  	s4 =	sld [smem:$0x3FB3]  }
0x2a: {  	p0 =	seq.s32 s5, $0x0;
	s5 =	sld [smem:$0x3FB4]  }
0x2b: {  	s6 =	sld [smem:$0x3FB5]  }
0x2c: {  	s7 =	sld [smem:$0x3FB6]  }
0x2d: {  	s3 =	simm.s32 $0x108;
	s8 =	sld [smem:$0x3FB7]  }
0x2e: {  	s3 =	simm.s32 @!p0 $0x1082;
	s9 =	sld [smem:$0x3FB8]  }
0x2f: {  	lr =	sadd.s32 s0, s3;
	s0 =	sld [smem:$0x3FAF]  }
0x30: {  	s3 =	sld [smem:$0x3FB2]  }
0x31: {  	[smem:$0x3FBB] =	sst s10  }
0x32: {  	s10 =	sld [smem:$0x3FB9];
	_ =	sdelay $0x3  }
0x33: {  	p0 =	seq.s32 s10, $0x1;
	s10 =	sld [smem:$0x3FBB];
	_ =	sdelay $0x3  }
0x34: {  	[smem:$0x3FBB] =	sst s10  }
0x35: {  	s10 =	sld [smem:$0x3FBA];
	_ =	sdelay $0x3  }
0x36: {  	p1 =	seq.s32 s10, $0x1;
	s10 =	sld [smem:$0x3FBB];
	_ =	sdelay $0x3  }
0x37: {  	[smem:$0x3FBB] =	sst s10  }
0x38: {  	s10 =	sld [smem:$0x3FBC]  }
0x39: {  	_ = 	snop;
	(pc) =	sbr.ind lr, $3  }
0x3a: {  	_ = 	snop  }
0x3b: {  	_ = 	snop  }
0x3c: {  	p2 =	seq.s32 s10, $0x1;
	s10 =	sld [smem:$0x3FBB]  }
0x3d: {  	_ =	shalt  }
0x3e: {  	_ =	shalt  }
0x3f: {  	_ =	shalt  }
0x40: {  	_ =	shalt  }
0x41: {  	_ =	shalt  }
0x42: {  	_ =	shalt  }
0x43: {  	_ =	shalt  }
0x44: {  	_ =	shalt  }
0x45: {  	_ =	shalt  }
0x46: {  	_ =	shalt  }
0x47: {  	_ =	shalt  }
0x48: {  	_ =	shalt  }
0x49: {  	_ =	shalt  }
0x4a: {  	_ =	shalt  }
0x4b: {  	_ =	shalt  }
0x4c: {  	_ =	shalt  }
0x4d: {  	_ =	shalt  }
0x4e: {  	_ =	shalt  }
0x4f: {  	_ =	shalt  }
0x50: {  	_ =	shalt  }
0x51: {  	_ =	shalt  }
0x52: {  	_ =	shalt  }
0x53: {  	_ =	shalt  }
0x54: {  	_ =	shalt  }
0x55: {  	_ =	shalt  }
0x56: {  	_ =	shalt  }
0x57: {  	_ =	shalt  }
0x58: {  	_ =	shalt  }
0x59: {  	_ =	shalt  }
0x5a: {  	_ =	shalt  }
0x5b: {  	_ =	shalt  }
0x5c: {  	_ =	shalt  }
0x5d: {  	_ =	shalt  }
0x5e: {  	_ =	shalt  }
0x5f: {  	_ =	shalt  }
0x60: {  	_ =	shalt  }
0x61: {  	_ =	shalt  }
0x62: {  	_ =	shalt  }
0x63: {  	_ =	shalt  }
0x64: {  	_ =	shalt  }
0x65: {  	_ =	shalt  }
0x66: {  	_ =	shalt  }
0x67: {  	_ =	shalt  }
0x68: {  	_ =	shalt  }
0x69: {  	_ =	shalt  }
0x6a: {  	_ =	shalt  }
0x6b: {  	_ =	shalt  }
0x6c: {  	_ =	shalt  }
0x6d: {  	_ =	shalt  }
0x6e: {  	_ =	shalt  }
0x6f: {  	_ =	shalt  }
0x70: {  	_ =	shalt  }
0x71: {  	_ =	shalt  }
0x72: {  	_ =	shalt  }
0x73: {  	_ =	shalt  }
0x74: {  	_ =	shalt  }
0x75: {  	_ =	shalt  }
0x76: {  	_ =	shalt  }
0x77: {  	_ =	shalt  }
0x78: {  	_ =	shalt  }
0x79: {  	_ =	shalt  }
0x7a: {  	_ =	shalt  }
0x7b: {  	_ =	shalt  }
0x7c: {  	_ =	shalt  }
0x7d: {  	_ =	shalt  }
0x7e: {  	_ =	shalt  }
0x7f: {  	_ =	shalt  }
0x80: {  	_ =	shalt  }
0x81: {  	_ =	shalt  }
0x82: {  	_ =	shalt  }
0x83: {  	_ =	shalt  }
0x84: {  	_ =	shalt  }
0x85: {  	_ =	shalt  }
0x86: {  	_ =	shalt  }
0x87: {  	_ =	shalt  }
.Lfunc_end0:
.L_simem_size_0:
called_computation_lowered:
.L_overlay_start_0:
0x88: {  	s2 =	sld [smem:$0x3FD9]  }
0x89: {  	s3 =	sld [smem:$0x3FFE];
	_ =	sdelay $0x1  }
0x8a: {  	s1 =	srdreg.scid  }
0x8b: {  	s0 =	sand.u32 $0x1, s1  }
0x8c: {  	s16 =	sshll.u32 s0, $0xA;
	s2 =	sadd.s32 s3, s2  }
0x8d: {  	s2 =	sadd.s32 s2, s16  }
0x8e: {  	[smem:$0x3FC7] =	sst s2  }
0x8f: {  	_ = 	snop  }
0x90: {  	(tm) =	ssettm $0x1  }
0x91: {  	s17 =	sld [smem:$0x3FFB];
	_ =	sdelay $0x3  }
0x92: {  	_ =	strace s17  }
0x93: {  	s2 =	sld [smem:$0x3FFC];
	_ =	sdelay $0x3  }
0x94: {  	_ =	strace s2  }
0x95: {  	s2 =	sld [smem:$0x3FFD];
	_ =	sdelay $0x3  }
0x96: {  	_ =	strace s2  }
0x97: {  	_ =	strace $0x8FFFFFFF  }
0x98: {  	s18 =	sld [smem:$0x3FDB];
	_ =	sdelay $0x1  }
0x99: {  	s19 =	simm.s32 $_scs_section_size  }
0x9a: {  	s4 =	simm.s32 $_size__tile_overlayer_lowered;
	s5 =	simm.s32 $_tile_overlayer_lowered  }
0x9b: {  	s22 =	simm.s32 $0x1BFF;
	s21 =	sshll.u32 s5, $0x1;
	s2 =	sadd.s32 s19, s18  }
0x9c: {  	s6 =	simm.s32 $0x0;
	s20 =	sshll.u32 s4, $0x1;
	s4 =	sadd.s32 s21, s2  }
0x9d: {  	[timem:s6], [sflag:s22] =	dma.local [hbm:s4], s20  }
0x9e: {  	_ =	swait.ge [sflag:s22], s20  }
0x9f: {  	s3 =	ssub.s32 $0x0, s20;
	[sflag:s22] =	ssyncset.done $0x0  }
0xa0: {  	[sflag:s22] =	ssyncadd.s32 s3;
	_ =	sdelay $0x1  }
0xa1: {  	s23 =	simm.s32 $0x1B8B  }
0xa2: {  	_ =	swait.ge [sflag:s23], $0x1  }
0xa3: {  	[sflag:s23] =	ssyncset.done $0x0  }
0xa4: {  	s25 =	simm.s32 $0x1B8E;
	s24 =	sld [smem:$0x3FFE];
	[sflag:s23] =	ssyncadd.s32 $0xFFFFFFFF  }
0xa5: {  	s26 =	simm.s32 $execute0_lowered;
	[smem:$0x3FD2] =	sst s25  }
0xa6: {  	s4 =	sshll.u32 s26, $0x1;
	_ =	strace $0x80000046;
	[dreg:$0x1] =	wrdreg $0xFFFFFFFF  }
0xa7: {  	s28 =	simm.s32 $_size_execute0_lowered;
	s2 =	sadd.s32 s2, s4;
	[dreg:$0x0] =	wrdreg $0x0  }
0xa8: {  	s4 =	sshll.u32 s28, $0x1;
	[dreg:$0x2] =	wrdreg s2  }
0xa9: {  	[dreg:$0x3] =	wrdreg s4  }
0xaa: {  	[dreg:$0x4] =	wrdreg $0xC0  }
0xab: {  	_ =	task [dreg:s6], $0x5FFFF  }
0xac: {  	[dreg:$0x1] =	wrdreg $0xFFFFFFFF  }
0xad: {  	[dreg:$0x0] =	wrdreg $0x60  }
0xae: {  	[dreg:$0x2] =	wrdreg s24  }
0xaf: {  	[dreg:$0x3] =	wrdreg $0xEF000  }
0xb0: {  	[dreg:$0x4] =	wrdreg $0x9  }
0xb1: {  	_ =	task.clear_ibuf [dreg:s6], $0x5FFFF;
	_ =	strace $0x90000046  }
0xb2: {  	s29 =	simm.s32 $0x9;
	_ =	strace $0x80000048  }
0xb3: {  	_ =	swait.ge [sflag:s29], $0x1  }
0xb4: {  	[sflag:s29] =	ssyncadd.s32 $0xFFFFFFFF  }
0xb5: {  	_ =	strace $0x90000048  }
0xb6: {  	_ =	sfence  }
0xb7: {  	s30 =	sld [smem:$0x0];
	_ =	sdelay $0x2  }
0xb8: {  	s31 =	sshll.u32 s1, $0xD;
	s1 =	sshrl.u32 s1, $0x2  }
0xb9: {  	s3 =	sand.u32 $0x4000, s31;
	s1 =	sadd.s32 s1, s30  }
0xba: {  	s0 =	sor.u32 s3, s0;
	s1 =	sshll.u32 s1, $0x11  }
0xbb: {  	s0 =	sor.u32 s1, s0  }
0xbc: {  	s0 =	sadd.s32 $0x8F2B, s0  }
0xbd: {  	[sflag:s0] =	ssyncadd.remote.s32 $0x1  }
0xbe: {  	_ =	sfence.sel $0xFFFF  }
0xbf: {  	[dreg:$0x0] =	wrdreg $0xFFFFFFFF;
	(pc) =	sbr.abs _section_cstart, $3  }
0xc0: {  	[dreg:$0x1] =	wrdreg $0xFFFFFFFF  }
0xc1: {  	_ =	task.clear_ibuf [dreg:s6], $0x2FFFF;
	_ =	strace $0x9FFFFFFF  }
0xc2: {  	(tm) =	ssettm $0x7FFFFFFF  }
0xc3: {  	_ =	shalt  }
tec
execute0_lowered:
.L_overlay_start_1:
0x0: {  	(tag) =	ssettag $0x1  }
0x1: {  	s0 =	srdreg.scid;
	s1 =	rddreg [dreg:$0x0]  }
0x2: {  	s8 =	stileid.u32;
	s2 =	rddreg [dreg:$0x1]  }
0x3: {  	s3 =	simm.s32 $0x0;
	s7 =	simm.s32 $0x8;
	s10 =	simm.s32 $0x1  }
0x4: {  	s11 =	simm.s32 $0xED00;
	s12 =	simm.s32 $0xEE00;
	s0 =	sand.u32 $0x1, s0  }
0x5: {  	s4 =	sand.u32 $0x7, s8;
	[smem:$0x7FF] =	sst s3;
	s13 =	sshrl.u32 s8, $0x3  }
0x6: {  	s6 =	sshll.u32 s8, $0x7;
	s31 =	sshll.u32 s8, $0x4;
	s5 =	sshll.u32 s0, $0x3  }
0x7: {  	_ =	strace $0x80000047;
	s28 =	smul.u32 $0x1C00, s0;
	p0 =	seq.s32 s13, $0x0  }
0x8: {  	s0 =	ssub.s32 $0x2, s0;
	s9 =	smul.u32 $0x5000, s13;
	s4 =	sor.u32 s4, s5  }
0x9: {  	s7 =	simm.s32 @!p0 $0xFFFFFF8;
	s29 =	sshrl.u32 s0, $0x1;
	s4 =	smul.u32 $0x1400, s4  }
.Ltmp0:
0xa: {  	p0 =	sne.s32 s13, $0x0;
	s7 =	sadd.s32 s8, s7;
	(pc) =	sbr.rel .LBB2_1-.Ltmp0, $4  }
0xb: {  	v0 =	vlaneseq.u32;
	v2 =	vimm.f32 $-Inf;
	v3 =	vimm.s32 $0x40000000;
	s0 =	ssub.s32 s0, s29;
	s26 =	sadd.s32 s4, s1;
	s4 =	sadd.s32 s6, s28  }
0xc: {  	v4 =	vimm.f32 $0.0e+00;
	v5 =	vimm.f32 $-1.000000000e+00;
	vm0 =	vmmov $0xff;
	s30 =	sshll.u32 s7, $0x4;
	s8 =	smax.u32 s0, $0x1;
	s4 =	sshrl.u32 s4, $0x3  }
0xd: {  	vm1 =	vcmask $0x3F18;
	vm2 =	vcmask $0x3F10;
	vm3 =	vcmask $0x3F0C;
	s6 =	sadd.s32 s31, s2;
	s5 =	sadd.s32 $0x600, s26;
	s1 =	sadd.s32 s4, s1  }
0xe: {  	vm4 =	vcmask $0x3F08;
	vm5 =	vmmov $0x1;
	v1 =	vor.u32 s30, v0;
	s4 =	smul.u32 $0xA00, s13;
	s13 =	simm.s32 $0x0;
	s7 =	sadd.s32 $0x14600, s1  }
.LBB2_9:
0xf: {  	p1 =	sgt.s32 s1, $0x0  }
0x10: {  	s1 =	simm.s32 @!p1 $0x0  }
0x11: {  	s1 =	smin.u32 s1, $0x13FF  }
0x12: {  	v6 =	vmov s1  }
0x13: {  	v7 =	vshll.u32 v6, $0x3  }
0x14: {  	v6 =	vand.u32 $0x7F, v6;
	v7 =	vand.u32 $0xFC00, v7  }
0x15: {  	v6 =	vor.u32 v6, v7  }
0x16: {  	v7 =	vor.u32 $0x280, v6;
	_ =	sdelay $0x1  }
0x17: {  	v8 =	vor.u32 $0x180, v6  }
0x18: {  	v9 =	vor.u32 $0x100, v6  }
0x19: {  	v10 =	vor.u32 $0x80, v6  }
0x1a: {  	v7 =	vld.idx.msk [tilespmem:v7+s3+$0x0], $0xffff;
	_ =	sdelay $0x1  }
0x1b: {  	v8 =	vld.idx.msk [tilespmem:v8+s3+$0x0], $0xffff  }
0x1c: {  	v9 =	vld.idx.msk [tilespmem:v9+s3+$0x0], $0xffff  }
0x1d: {  	v10 =	vld.idx.msk [tilespmem:v10+s3+$0x0], $0xffff  }
0x1e: {  	vm6 =	veq.s32 v0, $0x4;
	v6 =	vld.idx.msk [tilespmem:v6+s3+$0x0], $0xffff;
	v7 =	vsel vm1, $0xBF800000, v7  }
0x1f: {  	v7 =	vsel vm6, s0, v7  }
0x20: {  	v7 =	vsel vm2, v7, v8  }
0x21: {  	v7 =	vsel vm3, v7, v9  }
0x22: {  	p6 =	sgt.f32 s0, $-Inf;
	v7 =	vsel vm4, v7, v10  }
0x23: {  	v6 =	vsel vm5, v6, v7  }
0x24: {  	s14 =	simm.s32 @!p0 $0xE980;
	s13 =	sadd.s32 $0x1, s13;
	v6 =	vpsel !p6, $0xBF800000, v6  }
0x25: {  	p1 =	sne.s32 s13, s8;
	s1 =	simm.s32 @!p0 $0x400;
	s0 =	simm.s32 @!p0 $0x80;
	[tilespmem:$0xEC90] =	vst v6  }
0x26: {  	[hbm4b:s7+s0] =	stream.strided.scatter @!p0 [tilespmem:s14], [sflag:$0x1], $0x380, s1, s0, $0x38;
	[tilespmem:$0xEF10] =	vst v63  }
.Ltmp1:
0x27: {  	_ = 	snop;
	(pc) =	sbr.rel @!p1 .LBB2_10-.Ltmp1, $4  }
0x28: {  	s0 =	simm.s32 @!p0 $0x1  }
0x29: {  	_ =	swait.ge @!p0 [sflag:s0], $0x380  }
0x2a: {  	[sflag:s0] =	ssyncset.done @!p0 $0x0  }
0x2b: {  	[sflag:s0] =	ssyncadd.s32 @!p0 $0xFFFFFC80  }
.LBB2_1:
0x2c: {  	[tilespmem:s3], [sflag:$0x1] =	stream.linear.gather [hbm4b:s5+s3], $0xA000, $0x38;
	[tilespmem:$0xEF10] =	vst v63  }
0x2d: {  	_ =	swait.ge [sflag:s10], $0xA000  }
0x2e: {  	s0 =	sand.u32 $0x70, s3;
	s1 =	sand.u32 $0xFC00, s9;
	[sflag:s10] =	ssyncset.done $0x0  }
0x2f: {  	s0 =	sor.u32 s0, s1;
	[sflag:s10] =	ssyncadd.s32 $0xFFFF6000  }
0x30: {  	v7 =	vld [tilespmem:s0+$0x200];
	_ =	sdelay $0x4  }
0x31: {  	v6 =	vld [tilespmem:s0+$0x180];
	vm6 =	vgt.f32 v7, $2.500000000e-01  }
0x32: {  	v9 =	vld [tilespmem:s0+$0x100];
	v8 =	vmpcnt.ones.xlane vm6  }
0x33: {  	v10 =	vld [tilespmem:s0+$0x80]  }
0x34: {  	v11 =	vld [tilespmem:s0+$0x0];
	v8 =	vxor.u32 $0x80000000, v8  }
0x35: {  	(xrf0) =	vmax.scan.msk.u32 $0xffff, v8;
	_ =	sdelay $0x3  }
0x36: {  	v12 =	vsub.f32 v9, v11;
	v8 =	vsub.f32 v6, v10  }
0x37: {  	[tilespmem:s3+$0xB500] =	vst.msk vm6, v11  }
0x38: {  	v12 =	vmax.f32 v12, $0.0e+00;
	[tilespmem:s3+$0xBF80] =	vst.msk vm6, v10;
	v8 =	vmax.f32 v8, $0.0e+00;
	v11, _, _ =	vpop (xrf0)  }
0x39: {  	[tilespmem:s3+$0xCA00] =	vst.msk vm6, v9;
	v8 =	vmul.f32 v8, v12;
	(v2sf) =	vpush v11, $0xF  }
0x3a: {  	[tilespmem:s3+$0xD480] =	vst.msk vm6, v6  }
0x3b: {  	s29 =	simm.s32 $0x10;
	s14 =	sadd.s32 $0x0, s4;
	s0 =	sadd.s32 $0x80, s9;
	[tilespmem:s3+$0xAA80] =	vst.msk vm6, v8  }
0x3c: {  	s1 =	sand.u32 $0x70, s29;
	s30 =	sand.u32 $0xFC00, s0;
	v9 =	vor.u32 s14, v0;
	[tilespmem:s3+$0xA000] =	vst.msk vm6, v7  }
0x3d: {  	s14 =	sor.u32 s1, s30;
	[tilespmem:s3+$0xDF00] =	vst.msk vm6, v9  }
0x3e: {  	v6 =	vld [tilespmem:s14+$0x200];
	_ =	sdelay $0x1  }
0x3f: {  	v7 =	vnsel vm6, $0xFF800000, v7  }
0x40: {  	vm7 =	vlt.s32 v9, v3;
	vm6 =	veq.f32 v7, v2  }
0x41: {  	vm8 =	vgt.f32 v7, v2;
	vm6 =	vmand vm7, vm6  }
0x42: {  	v8 =	vld [tilespmem:s14+$0x180];
	vm7 =	vmor vm8, vm6;
	vm6 =	vgt.f32 v6, $2.500000000e-01  }
0x43: {  	s31 =	sadd.s32 $0x10, s4;
	v11 =	vld [tilespmem:s14+$0x80];
	v10 =	vsel vm7, v7, v2;
	v13 =	vmpcnt.ones.xlane vm6  }
0x44: {  	v12 =	vld [tilespmem:s14+$0x100];
	v14 =	vsel vm7, v9, v3;
	v7 =	vor.u32 s31, v0;
	v9 =	vnsel vm6, $0xFF800000, v6  }
0x45: {  	vm8 =	vlt.s32 v7, v14;
	vm7 =	veq.f32 v9, v10;
	v15 =	vxor.u32 $0x80000000, v13;
	v13 =	vld [tilespmem:s14+$0x0]  }
0x46: {  	vm9 =	vgt.f32 v9, v10;
	vm7 =	vmand vm8, vm7  }
0x47: {  	vm7 =	vmor vm9, vm7;
	(xrf0) =	vmax.scan.msk.u32 $0xffff, v15;
	s15 =	spop (v2sf)  }
0x48: {  	s1 =	simm.s32 $0x20;
	v9 =	vsel vm7, v9, v10;
	v10 =	vsel vm7, v7, v14;
	v14 =	vsub.f32 v8, v11;
	s14 =	sadd.s32 $0x0, s15  }
.LBB2_2:
0x49: {  	p1 =	sne.s32 s1, $0x9F0  }
0x4a: {  	v15 =	vsub.f32 v12, v13;
	s14 =	sadd.s32 $0x80000000, s14;
	s15 =	smov.u32 s1;
	s1 =	sadd.s32 $0x10, s1  }
0x4b: {  	[tilespmem:s14+$0xB500] =	vst.msk vm6, v13  }
0x4c: {  	v14 =	vmax.f32 v14, $0.0e+00;
	v13 =	vmax.f32 v15, $0.0e+00;
	[tilespmem:s14+$0xBF80] =	vst.msk vm6, v11  }
0x4d: {  	v11 =	vmul.f32 v14, v13;
	[tilespmem:s14+$0xCA00] =	vst.msk vm6, v12;
	v12, _, _ =	vpop (xrf0)  }
0x4e: {  	[tilespmem:s14+$0xD480] =	vst.msk vm6, v8;
	(v2sf) =	vpush v12, $0xF  }
0x4f: {  	[tilespmem:s14+$0xAA80] =	vst.msk vm6, v11  }
0x50: {  	s0 =	sadd.s32 $0x80, s0;
	[tilespmem:s14+$0xA000] =	vst.msk vm6, v6  }
0x51: {  	s16 =	sand.u32 $0x70, s15;
	s17 =	sand.u32 $0xFC00, s0;
	[tilespmem:s14+$0xDF00] =	vst.msk vm6, v7  }
0x52: {  	s16 =	sor.u32 s16, s17  }
0x53: {  	v6 =	vld [tilespmem:s16+$0x200];
	_ =	sdelay $0x3  }
0x54: {  	v8 =	vld [tilespmem:s16+$0x180]  }
0x55: {  	s15 =	sadd.s32 s15, s4;
	v12 =	vld [tilespmem:s16+$0x100];
	vm6 =	vgt.f32 v6, $2.500000000e-01  }
0x56: {  	v7 =	vor.u32 s15, v0;
	v11 =	vld [tilespmem:s16+$0x80];
	v14 =	vmpcnt.ones.xlane vm6;
	v15 =	vnsel vm6, $0xFF800000, v6  }
.Ltmp2:
0x57: {  	vm8 =	vlt.s32 v7, v10;
	v13 =	vld [tilespmem:s16+$0x0];
	vm7 =	veq.f32 v15, v9;
	(pc) =	sbr.rel @p1 .LBB2_2-.Ltmp2, $4  }
0x58: {  	vm9 =	vgt.f32 v15, v9;
	v14 =	vxor.u32 $0x80000000, v14;
	vm7 =	vmand vm8, vm7  }
0x59: {  	vm7 =	vmor vm9, vm7;
	(xrf0) =	vmax.scan.msk.u32 $0xffff, v14  }
0x5a: {  	v9 =	vsel vm7, v15, v9;
	v10 =	vsel vm7, v7, v10;
	s15 =	spop (v2sf)  }
0x5b: {  	v14 =	vsub.f32 v8, v11;
	s14 =	sadd.s32 s15, s14  }
0x5c: {  	(xrf0) =	vmax.scan.msk.f32 $0xffff, v9;
	_ =	sdelay $0x4  }
0x5d: {  	v15, _, _ =	vpop (xrf0)  }
0x5e: {  	v16, _, _ =	vpop (xrf0)  }
0x5f: {  	v17 =	vbroadcast v16, $0xF;
	_ =	sdelay $0x1  }
0x60: {  	v61 =	vxor.u32 $0x80000000, v10;
	vm7 =	veq.f32 v9, v17  }
0x61: {  	v9 =	vnsel vm7, $0xC0000000, v61  }
0x62: {  	(xrf0) =	vmin.scan.msk.u32 $0xffff, v9;
	_ =	sdelay $0x2  }
0x63: {  	(v2sf) =	vpush v15, $0xF;
	_ =	sdelay $0x2  }
0x64: {  	(v2sf) =	vpush v16, $0xF;
	v9, _, _ =	vpop (xrf0)  }
0x65: {  	(v2sf) =	vpush v9, $0xF;
	_ =	sdelay $0x5  }
0x66: {  	v62 =	vsub.f32 v12, v13;
	s0 =	sadd.s32 $0x80000000, s14  }
0x67: {  	[tilespmem:s0+$0xB500] =	vst.msk vm6, v13  }
0x68: {  	v63 =	vmax.f32 v14, $0.0e+00;
	[tilespmem:s0+$0xBF80] =	vst.msk vm6, v11;
	v9 =	vmax.f32 v62, $0.0e+00  }
0x69: {  	[tilespmem:s0+$0xCA00] =	vst.msk vm6, v12;
	v9 =	vmul.f32 v63, v9  }
0x6a: {  	[tilespmem:s0+$0xD480] =	vst.msk vm6, v8  }
0x6b: {  	s1 =	spop (v2sf);
	[tilespmem:s0+$0xAA80] =	vst.msk vm6, v9  }
0x6c: {  	s1 =	sadd.s32 s1, s0;
	[tilespmem:s0+$0xA000] =	vst.msk vm6, v6  }
0x6d: {  	s29 =	sadd.s32 $0x80000000, s1;
	[tilespmem:s0+$0xDF00] =	vst.msk vm6, v7  }
0x6e: {  	s0 =	spop (v2sf);
	[tilespmem:s29+$0xA000] =	vst v2  }
0x6f: {  	[tilespmem:s29+$0xDF00] =	vst v3;
	s30 =	spop (v2sf)  }
0x70: {  	[tilespmem:s29+$0xB500] =	vst v4;
	s1 =	sxor.u32 $0x80000000, s30  }
0x71: {  	[tilespmem:s29+$0xBF80] =	vst v4;
	v6 =	vmov s1  }
0x72: {  	[tilespmem:s29+$0xCA00] =	vst v5;
	v6 =	vbroadcast v6, $0x0  }
0x73: {  	[tilespmem:s29+$0xD480] =	vst v5  }
0x74: {  	[tilespmem:s29+$0xAA80] =	vst v4;
	v6 =	vsel vm0, v17, v6  }
0x75: {  	[tilespmem:$0xED00] =	vst v6  }
0x76: {  	[spmem:s6] =	stream.linear.scatter [tilespmem:s11], [sflag:$0x1], $0x10, $0x38;
	[tilespmem:$0xEF10] =	vst v63  }
0x77: {  	_ =	swait.ge [sflag:s10], $0x10  }
0x78: {  	[sflag:s10] =	ssyncset.done $0x0  }
0x79: {  	[sflag:s10] =	ssyncadd.s32 $0xFFFFFFF0  }
0x7a: {  	[bflag:$0x0] =	sbarrier.arrive $0xFFFF  }
0x7b: {  	[tilespmem:s12], [sflag:$0x1] =	stream.linear.gather [spmem:s2], $0x100, $0x38;
	[tilespmem:$0xEF10] =	vst v63  }
0x7c: {  	_ =	swait.ge [sflag:s10], $0x100  }
0x7d: {  	[sflag:s10] =	ssyncset.done $0x0  }
0x7e: {  	[sflag:s10] =	ssyncadd.s32 $0xFFFFFF00  }
0x7f: {  	v6 =	vld.idx.msk [tilespmem:v1+s12+$0x0], $0xffff;
	_ =	sdelay $0x4  }
0x80: {  	[bflag:$0x0] =	sbarrier.arrive $0xFFFF;
	v7 =	vnsel vm0, $0xFF800000, v6;
	v6 =	vsel vm0, $0x80000001, v6  }
0x81: {  	(xrf0) =	vmax.scan.msk.f32 $0xffff, v7;
	v6 =	vxor.u32 $0x80000000, v6  }
0x82: {  	(xrf0) =	vmax.scan.msk.u32 $0xffff, v6;
	_ =	sdelay $0x4  }
0x83: {  	v6, _, _ =	vpop (xrf0)  }
0x84: {  	(v2sf) =	vpush v6, $0xF;
	v6, _, _ =	vpop (xrf0)  }
0x85: {  	(v2sf) =	vpush v6, $0xF;
	_ =	sdelay $0x8  }
0x86: {  	s14 =	sadd.s32 $0xF, s29  }
0x87: {  	s15 =	sand.u32 $0xF, s14  }
0x88: {  	s16 =	sshra.s32 s14, $0x1F;
	p1 =	slt.s32 s14, $0x1;
	p2 =	sne.s32 s15, $0x0  }
0x89: {  	s16 =	sshrl.u32 s16, $0x1C;
	p1 =	por !p1, !p2  }
0x8a: {  	s17 =	simm.s32 $0x1;
	s14 =	sadd.s32 s16, s14;
	p1 =	por !p1, !p1  }
0x8b: {  	s14 =	sshra.s32 s14, $0x4;
	s17 =	simm.s32 @!p1 $0x0;
	s15 =	spop (v2sf)  }
0x8c: {  	s23 =	simm.s32 $0x0;
	s14 =	ssub.s32 s14, s17;
	s31 =	spop (v2sf)  }
0x8d: {  	s17 =	sshll.u32 s14, $0x6;
	p5 =	seq.f32 s15, s0;
	s16 =	sxor.u32 $0x80000000, s31  }
0x8e: {  	s14 =	sshll.u32 s14, $0x4;
	s17 =	sshra.s32 s17, $0x2;
	p6 =	slt.s32 s16, s1  }
0x8f: {  	s22 =	sand.u32 $0xFFFFFFC0, s17;
	p3 =	sgt.f32 s15, s0;
	p1 =	por !p5, !p6  }
.Ltmp3:
0x90: {  	s17 =	sadd.s32 $0xAA80, s22;
	p1 =	por !p1, !p1;
	(pc) =	sbr.rel .LBB2_4-.Ltmp3, $4  }
0x91: {  	s18 =	sadd.s32 $0xA000, s22;
	s19 =	sadd.s32 $0xD480, s22;
	p1 =	por p3, p1  }
0x92: {  	s20 =	sadd.s32 $0xCA00, s22;
	s21 =	sadd.s32 $0xBF80, s22;
	s0 =	smov.u32 @p1 s15  }
0x93: {  	s1 =	smov.u32 @p1 s16;
	s15 =	sand.u32 $0xFFFFFFC0, s14;
	s16 =	sadd.s32 $0xDF00, s22  }
0x94: {  	s22 =	sadd.s32 $0xB500, s22;
	p1 =	slt.s32 s14, $0x40;
	p2 =	seq.s32 s15, s14  }
.LBB2_8:
0x95: {  	(xrf0) =	vmax.scan.msk.f32 $0xffff, v13;
	_ =	sdelay $0x5  }
0x96: {  	v6, _, _ =	vpop (xrf0)  }
0x97: {  	v7 =	vbroadcast v6, $0xF;
	_ =	sdelay $0x1  }
0x98: {  	v8 =	vxor.u32 $0x80000000, v12;
	vm6 =	veq.f32 v13, v7  }
0x99: {  	v8 =	vnsel vm6, $0xC0000000, v8  }
0x9a: {  	(xrf0) =	vmin.scan.msk.u32 $0xffff, v8;
	_ =	sdelay $0x5  }
0x9b: {  	(v2sf) =	vpush v6, $0xF;
	v6, _, _ =	vpop (xrf0)  }
0x9c: {  	(v2sf) =	vpush v6, $0xF;
	_ =	sdelay $0xd  }
0x9d: {  	s0 =	spop (v2sf)  }
0x9e: {  	s1 =	spop (v2sf)  }
0x9f: {  	s1 =	sxor.u32 $0x80000000, s1  }
0xa0: {  	v6 =	vmov s1  }
0xa1: {  	v6 =	vbroadcast v6, $0x0;
	_ =	sdelay $0x1  }
0xa2: {  	v6 =	vsel vm0, v7, v6  }
0xa3: {  	[tilespmem:$0xED00] =	vst v6  }
0xa4: {  	[spmem:s6] =	stream.linear.scatter [tilespmem:s11], [sflag:$0x1], $0x10, $0x38;
	[tilespmem:$0xEF10] =	vst v63  }
0xa5: {  	_ =	swait.ge [sflag:s10], $0x10  }
0xa6: {  	[sflag:s10] =	ssyncset.done $0x0  }
0xa7: {  	[sflag:s10] =	ssyncadd.s32 $0xFFFFFFF0  }
0xa8: {  	[bflag:$0x0] =	sbarrier.arrive $0xFFFF  }
0xa9: {  	[tilespmem:s12], [sflag:$0x1] =	stream.linear.gather [spmem:s2], $0x100, $0x38;
	[tilespmem:$0xEF10] =	vst v63  }
0xaa: {  	_ =	swait.ge [sflag:s10], $0x100  }
0xab: {  	[sflag:s10] =	ssyncset.done $0x0  }
0xac: {  	[sflag:s10] =	ssyncadd.s32 $0xFFFFFF00  }
0xad: {  	v6 =	vld.idx.msk [tilespmem:v1+s12+$0x0], $0xffff;
	_ =	sdelay $0x4  }
0xae: {  	[bflag:$0x0] =	sbarrier.arrive $0xFFFF;
	v7 =	vnsel vm0, $0xFF800000, v6;
	v6 =	vsel vm0, $0x80000001, v6  }
0xaf: {  	(xrf0) =	vmax.scan.msk.f32 $0xffff, v7;
	v6 =	vxor.u32 $0x80000000, v6  }
0xb0: {  	(xrf0) =	vmax.scan.msk.u32 $0xffff, v6;
	_ =	sdelay $0x4  }
0xb1: {  	v6, _, _ =	vpop (xrf0)  }
0xb2: {  	(v2sf) =	vpush v6, $0xF;
	v6, _, _ =	vpop (xrf0)  }
0xb3: {  	(v2sf) =	vpush v6, $0xF;
	_ =	sdelay $0xd  }
0xb4: {  	s24 =	spop (v2sf)  }
0xb5: {  	s25 =	spop (v2sf)  }
0xb6: {  	p3 =	seq.f32 s24, s0;
	s25 =	sxor.u32 $0x80000000, s25  }
0xb7: {  	s23 =	sadd.s32 $0x1, s23;
	p4 =	slt.s32 s25, s1  }
0xb8: {  	p3 =	por !p3, !p4;
	p4 =	sne.s32 s23, $0x31  }
.Ltmp4:
0xb9: {  	_ = 	snop;
	(pc) =	sbr.rel @!p4 .LBB2_9-.Ltmp4, $4  }
0xba: {  	p5 =	sgt.f32 s24, s0  }
0xbb: {  	p3 =	por !p3, !p3  }
0xbc: {  	p3 =	por p5, p3  }
0xbd: {  	s0 =	smov.u32 @p3 s24;
	s1 =	smov.u32 @p3 s25  }
.LBB2_4:
0xbe: {  	p3 =	sgt.s32 s1, $0x0;
	s24 =	smov.u32 s1  }
0xbf: {  	s24 =	simm.s32 @!p3 $0x0  }
0xc0: {  	s24 =	smin.u32 s24, $0x13FF  }
0xc1: {  	v6 =	vmov s24  }
0xc2: {  	v7 =	vshll.u32 v6, $0x3  }
0xc3: {  	v6 =	vand.u32 $0x7F, v6;
	v7 =	vand.u32 $0xFC00, v7  }
0xc4: {  	v6 =	vor.u32 v6, v7  }
0xc5: {  	v7 =	vor.u32 $0x280, v6  }
0xc6: {  	v8 =	vor.u32 $0x180, v6  }
0xc7: {  	v9 =	vor.u32 $0x100, v6  }
0xc8: {  	v10 =	vor.u32 $0x80, v6;
	_ =	sdelay $0x1  }
0xc9: {  	v7 =	vld.idx.msk [tilespmem:v7+s3+$0x0], $0xffff  }
0xca: {  	v12 =	vld.idx.msk [tilespmem:v8+s3+$0x0], $0xffff  }
0xcb: {  	v8 =	vld.idx.msk [tilespmem:v9+s3+$0x0], $0xffff  }
0xcc: {  	v9 =	vld.idx.msk [tilespmem:v10+s3+$0x0], $0xffff  }
0xcd: {  	v11 =	vld.idx.msk [tilespmem:v6+s3+$0x0], $0xffff  }
0xce: {  	vm6 =	veq.s32 v0, $0x4;
	v6 =	vsel vm1, $0xBF800000, v7  }
0xcf: {  	p6 =	sgt.f32 s0, $-Inf;
	v6 =	vsel vm6, s0, v6  }
0xd0: {  	v6 =	vsel vm2, v6, v12  }
0xd1: {  	v7 =	vpsel !p6, $0x0, v9;
	v6 =	vsel vm3, v6, v8;
	v8 =	vpsel !p6, $0xBF800000, v8  }
.Ltmp5:
0xd2: {  	v10 =	vsel vm4, v6, v9;
	v6 =	vpsel !p6, $0x0, v11;
	v9 =	vpsel !p6, $0xBF800000, v12;
	(pc) =	sbr.rel @p1 .LBB2_5-.Ltmp5, $4  }
0xd3: {  	v10 =	vsel vm5, v11, v10;
	v11 =	vsub.f32 v8, v6;
	v12 =	vsub.f32 v9, v7  }
0xd4: {  	s31 =	sshll.u32 s23, $0x4;
	v13 =	vmov s1  }
0xd5: {  	s0 =	sand.u32 $0x3FFFFFF0, s31;
	v10 =	vpsel !p6, $0xBF800000, v10;
	v11 =	vmax.f32 v11, $0.0e+00;
	v12 =	vmax.f32 v12, $0.0e+00  }
0xd6: {  	[tilespmem:s0+$0xE980] =	vst v10;
	v10 =	vpsel !p6, $0xFFFFFFFF, v13;
	v11 =	vmul.f32 v12, v11  }
0xd7: {  	s0 =	simm.s32 $0xAAA0  }
0xd8: {  	s29 =	simm.s32 $0xB520;
	v12 =	vld [tilespmem:s0+$0x0]  }
0xd9: {  	v13 =	vld [tilespmem:s29+$0x10]  }
0xda: {  	v17 =	vld [tilespmem:s0+$0xFFFFFFF0]  }
0xdb: {  	s26 =	simm.s32 $0xBFA0;
	v18 =	vld [tilespmem:s29+$0x0]  }
0xdc: {  	s28 =	simm.s32 $0xCA20;
	v19 =	vld [tilespmem:s26+$0x0]  }
0xdd: {  	s25 =	simm.s32 $0xD4A0;
	v23 =	vld [tilespmem:s28+$0x0]  }
0xde: {  	v24 =	vld [tilespmem:s25+$0x0]  }
0xdf: {  	v25 =	vld [tilespmem:s0+$0xFFFFFFE0]  }
0xe0: {  	v27 =	vld [tilespmem:s29+$0xFFFFFFF0]  }
0xe1: {  	v29 =	vld [tilespmem:s26+$0xFFFFFFF0]  }
0xe2: {  	v30 =	vld [tilespmem:s28+$0xFFFFFFF0]  }
0xe3: {  	v31 =	vld [tilespmem:s25+$0xFFFFFFF0]  }
0xe4: {  	v26 =	vld [tilespmem:s29+$0xFFFFFFE0]  }
0xe5: {  	v28 =	vld [tilespmem:s28+$0xFFFFFFE0]  }
0xe6: {  	v32 =	vld [tilespmem:s26+$0xFFFFFFE0]  }
0xe7: {  	s1 =	simm.s32 $0xDF20;
	v15 =	vimm.f32 $-Inf;
	v14 =	vimm.s32 $0x40000000;
	v33 =	vld [tilespmem:s25+$0xFFFFFFE0];
	v16 =	vadd.f32 v12, v11  }
0xe8: {  	p4 =	sgt.s32 s15, $0x40;
	v20 =	vadd.f32 v17, v11;
	v22 =	vmax.f32 v6, v18;
	v18 =	vmax.f32 v6, v13;
	v12 =	vld [tilespmem:s1+$0x10]  }
.Ltmp6:
0xe9: {  	v21 =	vmax.f32 v7, v19;
	v23 =	vmin.f32 v8, v23;
	v13 =	vld [tilespmem:s1+$0x0];
	v17 =	vmax.f32 v6, v26;
	(pc) =	sbr.rel @!p4 .LBB2_12-.Ltmp6, $4  }
0xea: {  	v19 =	vmin.f32 v8, v28;
	v26 =	vld [tilespmem:s1+$0xFFFFFFF0];
	v28 =	vmax.f32 v6, v27;
	v27 =	vmax.f32 v7, v29  }
0xeb: {  	s24 =	simm.s32 $0xA020;
	v29 =	vmin.f32 v8, v30;
	v30 =	vmin.f32 v9, v31;
	v31 =	vld [tilespmem:s0+$0x10];
	v34 =	vsub.f32 v19, v17  }
0xec: {  	v25 =	vadd.f32 v25, v11;
	v32 =	vmax.f32 v7, v32;
	v33 =	vmin.f32 v9, v33;
	v19 =	vld [tilespmem:s24+$0xFFFFFFE0]  }
0xed: {  	p3 =	por $0x0, $0x0;
	v24 =	vmin.f32 v9, v24;
	s0 =	simm.s32 $0xAAE0;
	v17 =	vld [tilespmem:s1+$0xFFFFFFE0];
	v37 =	vsub.f32 v33, v32;
	v39 =	vmax.f32 v34, $0.0e+00  }
0xee: {  	v34 =	vld [tilespmem:s26+$0x10]  }
0xef: {  	v35 =	vld [tilespmem:s28+$0x10];
	v33 =	vmax.f32 v37, $0.0e+00  }
0xf0: {  	v28 =	vsub.f32 v29, v28;
	v27 =	vsub.f32 v30, v27;
	v29 =	vld [tilespmem:s25+$0x10];
	v33 =	vmul.f32 v33, v39  }
0xf1: {  	v22 =	vsub.f32 v23, v22;
	v21 =	vsub.f32 v24, v21  }
0xf2: {  	v28 =	vmax.f32 v28, $0.0e+00;
	v27 =	vmax.f32 v27, $0.0e+00;
	v25 =	vsub.f32 v25, v33  }
0xf3: {  	v22 =	vmax.f32 v22, $0.0e+00;
	v21 =	vmax.f32 v21, $0.0e+00;
	v47 =	vmul.f32 v27, v28  }
0xf4: {  	v32 =	vld [tilespmem:s0+$0x0];
	v38 =	vmul.f32 v21, v22;
	v27 =	vmax.f32 v7, v34;
	v25 =	vadd.f32 $9.999999710e-10, v25  }
0xf5: {  	s29 =	simm.s32 $0xB560;
	v30 =	vld [tilespmem:s0+$0xFFFFFFF0];
	v28 =	vmin.f32 v8, v35;
	v20 =	vsub.f32 v20, v47;
	v21 =	vmin.f32 v9, v29  }
0xf6: {  	s26 =	simm.s32 $0xBFE0;
	v23 =	vld [tilespmem:s29+$0x0];
	v18 =	vsub.f32 v28, v18;
	v21 =	vsub.f32 v21, v27;
	(erf) = vrcp.f32 v25  }
0xf7: {  	s28 =	simm.s32 $0xCA60;
	v24 =	vld [tilespmem:s26+$0x0]  }
0xf8: {  	v48 =	vld [tilespmem:s28+$0x0];
	v20 =	vadd.f32 $9.999999710e-10, v20;
	v18 =	vmax.f32 v18, $0.0e+00;
	v21 =	vmax.f32 v21, $0.0e+00  }
0xf9: {  	s25 =	simm.s32 $0xD4E0;
	v51 =	vld [tilespmem:s26+$0xFFFFFFE0];
	v16 =	vsub.f32 v16, v38;
	v40 =	vmul.f32 v21, v18;
	v18 =	vadd.f32 v31, v11  }
0xfa: {  	v53 =	vld [tilespmem:s25+$0xFFFFFFE0];
	(erf) = vrcp.f32 v20  }
0xfb: {  	v52 =	vld [tilespmem:s28+$0xFFFFFFE0];
	v20 =	vadd.f32 $9.999999710e-10, v16;
	v28 =	vsub.f32 v18, v40  }
0xfc: {  	vm6 =	veq.s32 v12, v10;
	vm7 =	veq.s32 v13, v10;
	vm8 =	veq.s32 v26, v10;
	v41 =	vld [tilespmem:s29+$0xFFFFFFE0]  }
0xfd: {  	vm9 =	veq.s32 v17, v10;
	vm15 =	vlt.s32 v17, v14;
	v31 =	vld [tilespmem:s25+$0xFFFFFFF0];
	(erf) = vrcp.f32 v20  }
0xfe: {  	v49 =	vld [tilespmem:s25+$0x0];
	v22 =	vmax.f32 v6, v23;
	v23 =	vmin.f32 v8, v48;
	v54 =	vmax.f32 v7, v51  }
0xff: {  	v36 =	vld [tilespmem:s29+$0x10];
	v58 =	vmin.f32 v9, v53;
	v20 =	vadd.f32 v30, v11;
	v30 =	vadd.f32 $9.999999710e-10, v28;
	v28 =	vpop (erf)  }
0x100: {  	v57 =	vmin.f32 v8, v52;
	v37 =	vsub.f32 v58, v54;
	v25 =	vld [tilespmem:s0+$0xFFFFFFE0];
	v33 =	vmul.f32 v28, v33  }
0x101: {  	v16 =	vadd.f32 v32, v11;
	v21 =	vmax.f32 v7, v24;
	(erf) = vrcp.f32 v30  }
0x102: {  	v30 =	vmin.f32 v9, v31;
	v31 =	vmax.f32 v6, v41;
	vm10 =	vge.f32 v33, $4.499999880e-01  }
0x103: {  	v55 =	vld [tilespmem:s24+$0xFFFFFFF0];
	v24 =	vmin.f32 v9, v49;
	v56 =	vpop (erf);
	v31 =	vsub.f32 v57, v31;
	vm9 =	vmor vm9, vm10  }
0x104: {  	v18 =	vmax.f32 v6, v36;
	v33 =	vmul.f32 v56, v47;
	v19 =	vsel vm9, $0xFF800000, v19  }
0x105: {  	v60 =	vld [tilespmem:s24+$0x0];
	v25 =	vadd.f32 v25, v11;
	v39 =	vmax.f32 v31, $0.0e+00;
	vm9 =	veq.f32 v19, v15  }
0x106: {  	v27 =	vld [tilespmem:s29+$0xFFFFFFF0];
	v59 =	vpop (erf);
	vm12 =	vge.f32 v33, $4.499999880e-01;
	vm11 =	vgt.f32 v19, v15;
	vm9 =	vmand vm15, vm9  }
0x107: {  	v50 =	vld [tilespmem:s28+$0xFFFFFFF0];
	v61 =	vmul.f32 v59, v38;
	vm8 =	vmor vm8, vm12;
	vm9 =	vmor vm11, vm9  }
0x108: {  	v29 =	vld [tilespmem:s26+$0xFFFFFFF0];
	v42 =	vsel vm8, $0xFF800000, v55;
	v62 =	vsel vm9, v19, v15;
	v17 =	vsel vm9, v17, v14  }
0x109: {  	v32 =	vld [tilespmem:s24+$0x10];
	vm14 =	vge.f32 v61, $4.499999880e-01;
	vm8 =	veq.f32 v42, v62;
	vm9 =	vlt.s32 v26, v17  }
0x10a: {  	s30 =	simm.s32 $0xDF60;
	p4 =	sgt.s32 s15, $0x80;
	v31 =	vld [tilespmem:s0+$0x10];
	vm7 =	vmor vm7, vm14;
	vm13 =	vgt.f32 v42, v62;
	vm8 =	vmand vm9, vm8  }
.Ltmp7:
0x10b: {  	v28 =	vmax.f32 v6, v27;
	v38 =	vld [tilespmem:s30+$0x0];
	v36 =	vsel vm7, $0xFF800000, v60;
	v63 =	vpop (erf);
	vm8 =	vmor vm13, vm8;
	(pc) =	sbr.rel @!p4 .LBB2_14-.Ltmp7, $4  }
0x10c: {  	s31 =	simm.s32 $0xA060;
	v33 =	vld [tilespmem:s30+$0x10];
	v40 =	vmul.f32 v63, v40;
	v34 =	vsel vm8, v26, v17;
	v35 =	vsel vm8, v42, v62  }
0x10d: {  	v27 =	vmax.f32 v7, v29;
	[tilespmem:s24+$0xFFFFFFE0] =	vst v19;
	v19 =	vld [tilespmem:s31+$0xFFFFFFE0];
	vm7 =	veq.f32 v36, v35;
	vm8 =	vlt.s32 v13, v34  }
0x10e: {  	[tilespmem:s24+$0xFFFFFFF0] =	vst v42;
	v26 =	vld [tilespmem:s30+$0xFFFFFFF0];
	vm15 =	vgt.f32 v36, v35;
	vm7 =	vmand vm8, vm7;
	vm8 =	vge.f32 v40, $4.499999880e-01  }
0x10f: {  	s1 =	simm.s32 $0x80;
	p3 =	por $0x1, $0x1;
	v29 =	vmin.f32 v8, v50;
	s0 =	simm.s32 $0xAB20;
	[tilespmem:s24+$0x0] =	vst v36;
	v17 =	vld [tilespmem:s30+$0xFFFFFFE0];
	vm7 =	vmor vm15, vm7;
	vm6 =	vmor vm6, vm8  }
.LBB2_15:
0x110: {  	v40 =	vld [tilespmem:s0+$0x0];
	v35 =	vsel vm7, v36, v35;
	v34 =	vsel vm7, v13, v34;
	v32 =	vsel vm6, $0xFF800000, v32;
	v13 =	vmovc v38  }
0x111: {  	v36 =	vmax.f32 v37, $0.0e+00;
	v37 =	vld [tilespmem:s26+$0x10];
	[tilespmem:s24+$0x10] =	vst v32;
	vm6 =	veq.f32 v32, v35;
	vm7 =	vlt.s32 v12, v34;
	s24 =	smov.u32 s31  }
0x112: {  	s29 =	sadd.s32 $0x40, s29;
	v36 =	vmul.f32 v36, v39;
	vm8 =	vgt.f32 v32, v35;
	v38 =	vld [tilespmem:s28+$0x10];
	vm6 =	vmand vm7, vm6  }
0x113: {  	v28 =	vsub.f32 v29, v28;
	v27 =	vsub.f32 v30, v27;
	v39 =	vld [tilespmem:s29+$0x10];
	vm6 =	vmor vm8, vm6  }
0x114: {  	v25 =	vsub.f32 v25, v36;
	v29 =	vld [tilespmem:s25+$0x10];
	v32 =	vsel vm6, v32, v35;
	v34 =	vsel vm6, v12, v34;
	v12 =	vmovc v33  }
0x115: {  	v22 =	vsub.f32 v23, v22;
	v28 =	vmax.f32 v28, $0.0e+00;
	v27 =	vmax.f32 v27, $0.0e+00;
	v30 =	vld [tilespmem:s0+$0xFFFFFFF0]  }
0x116: {  	v21 =	vsub.f32 v24, v21;
	s26 =	sadd.s32 $0x40, s26;
	v33 =	vmul.f32 v27, v28;
	v25 =	vadd.f32 $9.999999710e-10, v25;
	v23 =	vld [tilespmem:s29+$0x0]  }
0x117: {  	v22 =	vmax.f32 v22, $0.0e+00;
	s28 =	sadd.s32 $0x40, s28;
	v27 =	vmax.f32 v7, v37;
	v24 =	vld [tilespmem:s26+$0x0];
	v28 =	vmin.f32 v8, v38  }
0x118: {  	v21 =	vmax.f32 v21, $0.0e+00;
	s25 =	sadd.s32 $0x40, s25;
	v20 =	vsub.f32 v20, v33;
	v35 =	vld [tilespmem:s28+$0x0];
	(erf) = vrcp.f32 v25  }
0x119: {  	v38 =	vmul.f32 v21, v22;
	v18 =	vsub.f32 v28, v18;
	v37 =	vld [tilespmem:s25+$0x0];
	v21 =	vmin.f32 v9, v29  }
0x11a: {  	v20 =	vadd.f32 $9.999999710e-10, v20;
	v25 =	vld [tilespmem:s0+$0xFFFFFFE0];
	v21 =	vsub.f32 v21, v27  }
0x11b: {  	vm6 =	veq.s32 v12, v10;
	v16 =	vsub.f32 v16, v38;
	v27 =	vld [tilespmem:s29+$0xFFFFFFF0]  }
0x11c: {  	v18 =	vmax.f32 v18, $0.0e+00;
	v29 =	vld [tilespmem:s26+$0xFFFFFFF0];
	v21 =	vmax.f32 v21, $0.0e+00;
	(erf) = vrcp.f32 v20  }
0x11d: {  	v20 =	vadd.f32 $9.999999710e-10, v16;
	v41 =	vld [tilespmem:s28+$0xFFFFFFF0];
	v42 =	vmul.f32 v21, v18;
	v18 =	vadd.f32 v31, v11  }
0x11e: {  	vm7 =	veq.s32 v13, v10;
	vm9 =	veq.s32 v17, v10;
	vm8 =	veq.s32 v26, v10;
	v31 =	vld [tilespmem:s25+$0xFFFFFFF0]  }
0x11f: {  	v16 =	vadd.f32 v40, v11;
	v43 =	vld [tilespmem:s29+$0xFFFFFFE0];
	v44 =	vsub.f32 v18, v42;
	(erf) = vrcp.f32 v20  }
0x120: {  	v22 =	vmax.f32 v6, v23;
	v20 =	vadd.f32 v30, v11;
	v18 =	vmax.f32 v6, v39;
	v40 =	vld [tilespmem:s26+$0xFFFFFFE0]  }
0x121: {  	v21 =	vmax.f32 v7, v24;
	v23 =	vmin.f32 v8, v35;
	v39 =	vld [tilespmem:s28+$0xFFFFFFE0];
	v30 =	vadd.f32 $9.999999710e-10, v44;
	v28 =	vpop (erf)  }
0x122: {  	v24 =	vmin.f32 v9, v37;
	v25 =	vadd.f32 v25, v11;
	v35 =	vld [tilespmem:s25+$0xFFFFFFE0];
	v36 =	vmul.f32 v28, v36  }
0x123: {  	v28 =	vmax.f32 v6, v27;
	v27 =	vmax.f32 v7, v29;
	(erf) = vrcp.f32 v30  }
0x124: {  	v29 =	vmin.f32 v8, v41;
	v30 =	vmin.f32 v9, v31;
	vm10 =	vge.f32 v36, $4.499999880e-01  }
0x125: {  	v31 =	vmax.f32 v6, v43;
	v37 =	vmax.f32 v7, v40;
	vm9 =	vmor vm9, vm10;
	v36 =	vld [tilespmem:s31+$0xFFFFFFF0];
	v40 =	vpop (erf)  }
0x126: {  	v39 =	vmin.f32 v8, v39;
	v19 =	vsel vm9, $0xFF800000, v19;
	v41 =	vmul.f32 v40, v33  }
0x127: {  	vm10 =	vlt.s32 v17, v34;
	v40 =	vmin.f32 v9, v35;
	[tilespmem:s31+$0xFFFFFFE0] =	vst v19;
	vm9 =	veq.f32 v19, v32  }
0x128: {  	vm11 =	vgt.f32 v19, v32;
	vm9 =	vmand vm10, vm9;
	vm10 =	vge.f32 v41, $4.499999880e-01;
	v33 =	vpop (erf)  }
0x129: {  	vm9 =	vmor vm11, vm9;
	vm8 =	vmor vm8, vm10;
	v41 =	vld [tilespmem:s31+$0x0];
	v38 =	vmul.f32 v33, v38  }
0x12a: {  	v19 =	vsel vm9, v19, v32;
	v17 =	vsel vm9, v17, v34;
	v34 =	vsel vm8, $0xFF800000, v36  }
0x12b: {  	s1 =	sadd.s32 $0x40, s1;
	s30 =	sadd.s32 $0x40, s30;
	v31 =	vsub.f32 v39, v31;
	[tilespmem:s31+$0xFFFFFFF0] =	vst v34;
	vm8 =	veq.f32 v34, v19;
	vm9 =	vlt.s32 v26, v17;
	v32 =	vld [tilespmem:s31+$0x10]  }
0x12c: {  	p4 =	slt.s32 s1, s15;
	vm10 =	vgt.f32 v34, v19;
	v33 =	vld [tilespmem:s30+$0x10];
	vm8 =	vmand vm9, vm8;
	vm9 =	vge.f32 v38, $4.499999880e-01;
	v35 =	vpop (erf)  }
.Ltmp8:
0x12d: {  	v38 =	vld [tilespmem:s30+$0x0];
	vm8 =	vmor vm10, vm8;
	vm7 =	vmor vm7, vm9;
	v39 =	vmul.f32 v35, v42;
	(pc) =	sbr.rel @p4 .LBB2_15-.Ltmp8, $4  }
0x12e: {  	s31 =	sadd.s32 $0x40, s31;
	v35 =	vsel vm8, v34, v19;
	v34 =	vsel vm8, v26, v17;
	v26 =	vld [tilespmem:s30+$0xFFFFFFF0];
	v36 =	vsel vm7, $0xFF800000, v41  }
0x12f: {  	v37 =	vsub.f32 v40, v37;
	v19 =	vld [tilespmem:s31+$0xFFFFFFE0];
	[tilespmem:s24+$0x0] =	vst v36;
	vm7 =	veq.f32 v36, v35;
	vm8 =	vlt.s32 v13, v34  }
0x130: {  	vm9 =	vgt.f32 v36, v35;
	v17 =	vld [tilespmem:s30+$0xFFFFFFE0];
	vm7 =	vmand vm8, vm7;
	vm8 =	vge.f32 v39, $4.499999880e-01  }
0x131: {  	v39 =	vmax.f32 v31, $0.0e+00;
	v31 =	vld [tilespmem:s0+$0x10];
	s0 =	sadd.s32 $0x40, s0;
	vm7 =	vmor vm9, vm7;
	vm6 =	vmor vm6, vm8  }
0x132: {  	v41 =	vmovc v13;
	s0 =	smov.u32 s24;
	v40 =	vmov v12;
	v13 =	vmov v38;
	s24 =	smov.u32 s31;
	v12 =	vmov v33  }
.LBB2_17:
0x133: {  	v33 =	vmax.f32 v37, $0.0e+00  }
0x134: {  	v46 =	vld [tilespmem:s26+$0x10];
	v28 =	vsub.f32 v29, v28;
	v33 =	vmul.f32 v33, v39  }
0x135: {  	v47 =	vld [tilespmem:s28+$0x10];
	v27 =	vsub.f32 v30, v27;
	v22 =	vsub.f32 v23, v22  }
0x136: {  	v48 =	vld [tilespmem:s25+$0x10];
	v21 =	vsub.f32 v24, v21;
	v25 =	vsub.f32 v25, v33  }
0x137: {  	v28 =	vmax.f32 v28, $0.0e+00;
	v27 =	vmax.f32 v27, $0.0e+00;
	v22 =	vmax.f32 v22, $0.0e+00  }
0x138: {  	v21 =	vmax.f32 v21, $0.0e+00;
	v50 =	vmul.f32 v27, v28;
	v49 =	vadd.f32 $9.999999710e-10, v25  }
0x139: {  	v21 =	vmul.f32 v21, v22  }
0x13a: {  	v52 =	vmin.f32 v8, v47;
	v20 =	vsub.f32 v20, v50;
	(erf) = vrcp.f32 v49  }
0x13b: {  	v51 =	vmax.f32 v7, v46;
	v53 =	vmin.f32 v9, v48;
	v18 =	vsub.f32 v52, v18  }
0x13c: {  	v22 =	vsub.f32 v53, v51;
	v20 =	vadd.f32 $9.999999710e-10, v20  }
0x13d: {  	v16 =	vsub.f32 v16, v21  }
0x13e: {  	v18 =	vmax.f32 v18, $0.0e+00;
	v22 =	vmax.f32 v22, $0.0e+00;
	(erf) = vrcp.f32 v20  }
0x13f: {  	v54 =	vadd.f32 v31, v11;
	v16 =	vadd.f32 $9.999999710e-10, v16;
	v18 =	vmul.f32 v22, v18;
	_ =	sdelay $0x1  }
0x140: {  	(erf) = vrcp.f32 v16;
	v20 =	vsub.f32 v54, v18  }
0x141: {  	v23 =	vsel @p3 vm6, $0xFF800000, v32;
	v22 =	vsel @p3 vm7, v36, v35;
	v16 =	vsel @p3 vm7, v41, v34  }
0x142: {  	vm6 =	veq.f32 @p3 v23, v22;
	vm7 =	vlt.s32 @p3 v40, v16;
	v20 =	vadd.f32 $9.999999710e-10, v20;
	v55 =	vpop (erf)  }
0x143: {  	vm8 =	vgt.f32 @p3 v23, v22;
	vm6 =	vmand @p3 vm7, vm6;
	v24 =	vmul.f32 v55, v33  }
0x144: {  	vm6 =	vmor @p3 vm8, vm6;
	(erf) = vrcp.f32 v20  }
0x145: {  	vm7 =	veq.s32 v17, v10;
	v16 =	vsel @p3 vm6, v40, v16;
	vm9 =	vge.f32 v24, $4.499999880e-01  }
0x146: {  	v56 =	vld [tilespmem:s24+$0xFFFFFFF0];
	v14 =	vpsel p3, v16, v14;
	v20 =	vsel @p3 vm6, v23, v22;
	v57 =	vpop (erf);
	vm7 =	vmor vm7, vm9  }
0x147: {  	v15 =	vpsel p3, v20, v15;
	v24 =	vmul.f32 v57, v50;
	v19 =	vsel vm7, $0xFF800000, v19  }
0x148: {  	vm6 =	veq.s32 v26, v10;
	vm14 =	vlt.s32 v17, v14;
	vm7 =	veq.f32 v19, v15  }
0x149: {  	v58 =	vpop (erf);
	vm12 =	vge.f32 v24, $4.499999880e-01;
	vm15 =	vgt.f32 v19, v15;
	vm7 =	vmand vm14, vm7  }
0x14a: {  	v59 =	vld [tilespmem:s24+$0x0];
	v16 =	vmul.f32 v58, v21;
	vm6 =	vmor vm6, vm12;
	vm7 =	vmor vm15, vm7  }
0x14b: {  	v60 =	vsel vm6, $0xFF800000, v56;
	v15 =	vsel vm7, v19, v15;
	v14 =	vsel vm7, v17, v14  }
0x14c: {  	vm6 =	veq.s32 v13, v10;
	vm7 =	veq.f32 v60, v15;
	vm13 =	vlt.s32 v26, v14  }
0x14d: {  	vm15 =	vge.f32 v16, $4.499999880e-01;
	v61 =	vpop (erf);
	vm14 =	vgt.f32 v60, v15;
	vm7 =	vmand vm13, vm7  }
0x14e: {  	v62 =	vld [tilespmem:s24+$0x10];
	vm6 =	vmor vm6, vm15;
	v16 =	vmul.f32 v61, v18;
	vm7 =	vmor vm14, vm7  }
0x14f: {  	v63 =	vsel vm6, $0xFF800000, v59;
	v15 =	vsel vm7, v60, v15;
	v14 =	vsel vm7, v26, v14  }
0x150: {  	vm6 =	veq.s32 v12, v10;
	vm7 =	veq.f32 v63, v15;
	vm12 =	vlt.s32 v13, v14  }
0x151: {  	vm14 =	vge.f32 v16, $4.499999880e-01;
	vm13 =	vgt.f32 v63, v15;
	vm7 =	vmand vm12, vm7  }
0x152: {  	vm6 =	vmor vm6, vm14;
	vm7 =	vmor vm13, vm7  }
.Ltmp9:
0x153: {  	[tilespmem:s0+$0x10] =	vst @p3 v23;
	v15 =	vsel vm7, v63, v15;
	v14 =	vsel vm7, v13, v14;
	v13 =	vsel vm6, $0xFF800000, v62;
	(pc) =	sbr.rel .LBB2_6-.Ltmp9, $4  }
0x154: {  	[tilespmem:s24+$0xFFFFFFE0] =	vst v19;
	vm6 =	veq.f32 v13, v15;
	vm7 =	vlt.s32 v12, v14  }
0x155: {  	[tilespmem:s24+$0xFFFFFFF0] =	vst v60;
	vm15 =	vgt.f32 v13, v15;
	vm6 =	vmand vm7, vm6  }
0x156: {  	[tilespmem:s24+$0x0] =	vst v63;
	vm6 =	vmor vm15, vm6  }
0x157: {  	[tilespmem:s24+$0x10] =	vst v13;
	v13 =	vsel vm6, v13, v15;
	v12 =	vsel vm6, v12, v14  }
.LBB2_5:
0x158: {  	v12 =	vimm.s32 $0x40000000;
	v13 =	vimm.f32 $-Inf  }
.LBB2_6:
.Ltmp10:
0x159: {  	(pc) =	sbr.rel @p2 .LBB2_8-.Ltmp10, $4  }
0x15a: {  	_ = 	snop  }
0x15b: {  	s0 =	smov.u32 s22;
	s1 =	smov.u32 s21  }
0x15c: {  	s24 =	smov.u32 s20;
	s25 =	smov.u32 s19;
	s26 =	smov.u32 s18  }
0x15d: {  	s28 =	smov.u32 s17;
	s29 =	smov.u32 s16;
	s30 =	smov.u32 s15  }
.LBB2_7:
0x15e: {  	v14 =	vld [tilespmem:s0+$0x0]  }
0x15f: {  	v15 =	vld [tilespmem:s1+$0x0]  }
0x160: {  	v16 =	vld [tilespmem:s24+$0x0]  }
0x161: {  	v17 =	vld [tilespmem:s25+$0x0];
	_ =	sdelay $0x3  }
0x162: {  	v18 =	vld [tilespmem:s28+$0x0];
	v14 =	vmax.f32 v6, v14  }
0x163: {  	v15 =	vmax.f32 v7, v15;
	v16 =	vmin.f32 v8, v16;
	v17 =	vmin.f32 v9, v17  }
0x164: {  	v14 =	vsub.f32 v16, v14;
	v15 =	vsub.f32 v17, v15;
	_ =	sdelay $0x1  }
0x165: {  	v14 =	vmax.f32 v14, $0.0e+00;
	v15 =	vmax.f32 v15, $0.0e+00  }
0x166: {  	v14 =	vmul.f32 v15, v14;
	v15 =	vadd.f32 v18, v11;
	_ =	sdelay $0x1  }
0x167: {  	v15 =	vsub.f32 v15, v14;
	_ =	sdelay $0x1  }
0x168: {  	v15 =	vadd.f32 $9.999999710e-10, v15;
	_ =	sdelay $0x1  }
0x169: {  	(erf) = vrcp.f32 v15;
	_ =	sdelay $0x6  }
0x16a: {  	v15 =	vld [tilespmem:s29+$0x0];
	_ =	sdelay $0x1  }
0x16b: {  	v62 =	vld [tilespmem:s26+$0x0];
	v63 =	vpop (erf)  }
0x16c: {  	v14 =	vmul.f32 v63, v14;
	_ =	sdelay $0x1  }
0x16d: {  	s30 =	sadd.s32 $0x10, s30;
	vm7 =	veq.s32 v15, v10;
	vm6 =	vge.f32 v14, $4.499999880e-01  }
0x16e: {  	p3 =	slt.s32 s30, s14;
	vm6 =	vmor vm7, vm6  }
.Ltmp11:
0x16f: {  	v14 =	vsel vm6, $0xFF800000, v62;
	(pc) =	sbr.rel @p3 .LBB2_7-.Ltmp11, $4  }
0x170: {  	vm7 =	vlt.s32 v15, v12;
	vm6 =	veq.f32 v14, v13  }
0x171: {  	s28 =	sadd.s32 $0x10, s28;
	vm8 =	vgt.f32 v14, v13;
	vm6 =	vmand vm7, vm6  }
0x172: {  	s25 =	sadd.s32 $0x10, s25;
	s24 =	sadd.s32 $0x10, s24;
	s1 =	sadd.s32 $0x10, s1;
	vm6 =	vmor vm8, vm6  }
0x173: {  	s0 =	sadd.s32 $0x10, s0;
	s29 =	sadd.s32 $0x10, s29;
	[tilespmem:s26+$0x0] =	vst v14;
	s26 =	sadd.s32 $0x10, s26;
	v13 =	vsel vm6, v14, v13;
	v12 =	vsel vm6, v15, v12  }
.Ltmp12:
0x174: {  	_ = 	snop;
	(pc) =	sbr.rel .LBB2_8-.Ltmp12, $1  }
0x175: {  	_ =	sdelay $0x3  }
.LBB2_12:
.Ltmp13:
0x176: {  	(pc) =	sbr.rel .LBB2_17-.Ltmp13, $2  }
0x177: {  	_ =	sdelay $0x2  }
0x178: {  	_ = 	snop  }
.LBB2_14:
.Ltmp14:
0x179: {  	(pc) =	sbr.rel .LBB2_17-.Ltmp14, $2  }
0x17a: {  	_ =	sdelay $0x2  }
0x17b: {  	v41 =	vmovc v13;
	v40 =	vmov v12;
	v13 =	vmov v38;
	s0 =	simm.s32 $0xA020;
	s24 =	simm.s32 $0xA060;
	v12 =	vmov v33  }
.LBB2_10:
0x17c: {  	_ =	sfence.sel $0x180000  }
0x17d: {  	[bflag:$0x0] =	sbarrier.arrive $0xFFFF  }
0x17e: {  	_ =	strace $0x90000047  }
0x17f: {  	s0 =	stileid.u32;
	[bflag:$0x2] =	sbarrier.arrive $0xFFFF  }
0x180: {  	p0 =	sne.s32 s0, $0x0;
	s0 =	rddreg [dreg:$0x2]  }
0x181: {  	s0 =	sadd.s32 @!p0 $0x100000, s0  }
0x182: {  	[sflag:s0] =	ssyncadd.tile.s32 @!p0 $0x1;
	_ =	shalt  }
.Lfunc_end2:
_tile_overlayer_lowered:
.L_overlay_start_2:
0x183: {  	(tag) =	ssettag $0x2  }
0x184: {  	s0 =	rddreg [dreg:$0x0];
	s2 =	stileid.u32  }
0x185: {  	s1 =	rddreg [dreg:$0x1];
	p0 =	sne.s32 s2, $0x0  }
0x186: {  	s3 =	rddreg [dreg:$0x2];
	[bflag:$0x3] =	sbarrier.arrive $0xFFFF;
	s2 =	simm.s32 @!p0 $0x1C01  }
0x187: {  	[timem:s3], [sflag:s2] =	dma.local @!p0 [hbm:s0], s1  }
0x188: {  	s0 =	simm.s32 @!p0 $0x1  }
0x189: {  	_ =	swait.ge @!p0 [sflag:s0], s1  }
0x18a: {  	s1 =	ssub.s32 @!p0 $0x0, s1;
	[sflag:s0] =	ssyncset.done @!p0 $0x0  }
0x18b: {  	[sflag:s0] =	ssyncadd.s32 @!p0 s1  }
0x18c: {  	[bflag:$0x3] =	sbarrier.arrive $0xFFFF  }
0x18d: {  	_ =	shalt  }

</sc_bundles>
